<compile_context>
chip_gen: v7x
topology: tpu7x:2x2x1
jax: 0.10.2.dev20260603
libtpu: 0.0.44.dev20260713+nightly
codegen_flags: <defaults>
</compile_context>

<pallas_src>
import functools

import jax
import jax.numpy as jnp
from jax import lax
from jax.experimental import pallas as pl
from jax.experimental.pallas import tpu as pltpu
from jax.experimental.pallas import tpu_sc as plsc

N = 10000
E = 320000
D_FEAT = 128
D_EDGE = 16
STATE_DIM = 128
HID_S = 256
HID_O = 256
OUT_DIM = 32
MAX_ITER = 5
THRESHOLD = 0.01

NC = 2
NS = 16
NW = NC * NS
B2 = 64
EPT2 = 10368
NB2 = EPT2 // B2
EPAD2 = NW * EPT2
BP = 128
EPT3 = 10240
NB3 = EPT3 // BP
EPAD3 = NW * EPT3
ACC_H = 10112
ZST = ACC_H // NS
OST = 640
OLAST = N - 15 * OST

BLK = 2000
GRID = N // BLK


def _mesh():
    return plsc.VectorSubcoreMesh(core_axis_name="c", subcore_axis_name="s")


@functools.partial(
    pl.kernel,
    mesh=_mesh(),
    out_type=jax.ShapeDtypeStruct((NC, N, STATE_DIM), jnp.float32),
    scratch_types=[
        pltpu.VMEM((NB3, BP), jnp.int32),
        pltpu.VMEM((NB3, BP), jnp.int32),
        pltpu.VMEM((BP, STATE_DIM), jnp.float32),
        pltpu.VMEM_SHARED((ACC_H, STATE_DIM), jnp.float32),
        pltpu.SemaphoreType.DMA,
        pltpu.SemaphoreType.DMA,
        pltpu.SemaphoreType.DMA,
    ],
)
def _sc_spmm(table, cols, rows, zeros, out, cols_v, rows_v, buf,
             acc, semi, semg, sems):
    c = lax.axis_index("c")
    s = lax.axis_index("s")
    w = c * NS + s
    ci = pltpu.async_copy(cols.at[w], cols_v, semi)
    ri = pltpu.async_copy(rows.at[w], rows_v, semi)
    zi = pltpu.async_copy(zeros, acc.at[pl.ds(s * ZST, ZST)], semi)
    ci.wait()
    ri.wait()
    zi.wait()
    plsc.subcore_barrier()

    def step(j, carry):
        pltpu.async_copy(table.at[cols_v.at[j]], buf, semg).wait()
        pltpu.async_copy(buf, acc.at[rows_v.at[j]], sems, add=True).wait()
        return carry

    lax.fori_loop(0, NB3, step, 0)
    plsc.subcore_barrier()

    @pl.when(s < NS - 1)
    def _():
        pltpu.sync_copy(acc.at[pl.ds(s * OST, OST)], out.at[c, pl.ds(s * OST, OST)])

    @pl.when(s == NS - 1)
    def _():
        pltpu.sync_copy(acc.at[pl.ds((NS - 1) * OST, OLAST)],
                        out.at[c, pl.ds((NS - 1) * OST, OLAST)])


@functools.partial(
    pl.kernel,
    mesh=_mesh(),
    out_type=jax.ShapeDtypeStruct((NC, N, STATE_DIM), jnp.float32),
    scratch_types=[
        pltpu.VMEM((NB2, B2), jnp.int32),
        pltpu.VMEM((B2, STATE_DIM), jnp.float32),
        pltpu.VMEM((B2, STATE_DIM), jnp.float32),
        pltpu.VMEM((B2, STATE_DIM), jnp.float32),
        pltpu.VMEM_SHARED((ACC_H, STATE_DIM), jnp.float32),
        pltpu.SemaphoreType.DMA,
        pltpu.SemaphoreType.DMA,
        pltpu.SemaphoreType.DMA,
    ],
)
def _sc_segsum(data, rows, zeros, out, rows_v, b0, b1, b2, acc,
               semi, semg, sems):
    c = lax.axis_index("c")
    s = lax.axis_index("s")
    w = c * NS + s
    bufs = (b0, b1, b2)
    ri = pltpu.async_copy(rows.at[w], rows_v, semi)
    zi = pltpu.async_copy(zeros, acc.at[pl.ds(s * ZST, ZST)], semi)
    ri.wait()
    pltpu.async_copy(data.at[pl.ds(w * EPT2, B2)], b0, semg)
    pltpu.async_copy(data.at[pl.ds(w * EPT2 + B2, B2)], b1, semg)
    zi.wait()
    plsc.subcore_barrier()

    def tri(i, carry):
        for t in range(3):
            jj = 3 * i + t
            bt = bufs[t]
            bn = bufs[(t + 2) % 3]
            pltpu.make_async_copy(
                data.at[pl.ds(w * EPT2 + jj * B2, B2)], bt, semg).wait()
            pltpu.async_copy(bt, acc.at[rows_v.at[jj]], sems, add=True)

            @pl.when(jj >= 1)
            def _():
                pltpu.make_async_copy(bn, acc.at[rows_v.at[jj - 1]], sems).wait()

            @pl.when(jj + 2 < NB2)
            def _():
                pltpu.async_copy(
                    data.at[pl.ds(w * EPT2 + (jj + 2) * B2, B2)], bn, semg)
        return carry

    lax.fori_loop(0, NB2 // 3, tri, 0)
    pltpu.make_async_copy(b2, acc.at[rows_v.at[NB2 - 1]], sems).wait()
    plsc.subcore_barrier()

    @pl.when(s < NS - 1)
    def _():
        pltpu.sync_copy(acc.at[pl.ds(s * OST, OST)], out.at[c, pl.ds(s * OST, OST)])

    @pl.when(s == NS - 1)
    def _():
        pltpu.sync_copy(acc.at[pl.ds((NS - 1) * OST, OLAST)],
                        out.at[c, pl.ds((NS - 1) * OST, OLAST)])


def _dot(a, b):
    return jax.lax.dot_general(
        a, b, (((1,), (0,)), ((), ())),
        precision=jax.lax.Precision.DEFAULT,
        preferred_element_type=jnp.float32)


def _t1_body(nodes, p, q, wb, wd, we, b1, c_out):
    aggn = p[0] + p[1]
    agga = q[0] + q[1]
    acc = _dot(nodes[...], wb[...])
    acc = acc + _dot(aggn, wd[...])
    acc = acc + _dot(agga, we[...])
    c_out[...] = acc + b1[...]


def _tc_precompute(nodes, p, q, wb, wd, we, b1):
    return pl.pallas_call(
        _t1_body,
        grid=(GRID,),
        in_specs=[
            pl.BlockSpec((BLK, D_FEAT), lambda i: (i, 0)),
            pl.BlockSpec((NC, BLK, STATE_DIM), lambda i: (0, i, 0)),
            pl.BlockSpec((NC, BLK, STATE_DIM), lambda i: (0, i, 0)),
            pl.BlockSpec((D_FEAT, HID_S), lambda i: (0, 0)),
            pl.BlockSpec((STATE_DIM, HID_S), lambda i: (0, 0)),
            pl.BlockSpec((STATE_DIM, HID_S), lambda i: (0, 0)),
            pl.BlockSpec((1, HID_S), lambda i: (0, 0)),
        ],
        out_specs=pl.BlockSpec((BLK, HID_S), lambda i: (i, 0)),
        out_shape=jax.ShapeDtypeStruct((N, HID_S), jnp.float32),
    )(nodes, p, q, wb, wd, we, b1)


def _t2_body(state, p, cc, wa, wc, w2, b2, ns_out, flag):
    i = pl.program_id(0)
    st = state[...]
    agg = p[0] + p[1]
    h = jnp.maximum(_dot(st, wa[...]) + _dot(agg, wc[...]) + cc[...], 0.0)
    ns = jnp.tanh(_dot(h, w2[...]) + b2[...])
    ns_out[...] = ns
    d = ns - st
    dist = jnp.sqrt(jnp.sum(d * d, axis=1))
    norm = jnp.sqrt(jnp.sum(st * st, axis=1))
    blk_flag = jnp.any(dist > THRESHOLD * norm)

    @pl.when(i == 0)
    def _():
        flag[0, 0] = 0

    @pl.when(blk_flag)
    def _():
        flag[0, 0] = 1


def _tc_update(state, p, cc, wa, wc, w2, b2):
    return pl.pallas_call(
        _t2_body,
        grid=(GRID,),
        in_specs=[
            pl.BlockSpec((BLK, STATE_DIM), lambda i: (i, 0)),
            pl.BlockSpec((NC, BLK, STATE_DIM), lambda i: (0, i, 0)),
            pl.BlockSpec((BLK, HID_S), lambda i: (i, 0)),
            pl.BlockSpec((STATE_DIM, HID_S), lambda i: (0, 0)),
            pl.BlockSpec((STATE_DIM, HID_S), lambda i: (0, 0)),
            pl.BlockSpec((HID_S, STATE_DIM), lambda i: (0, 0)),
            pl.BlockSpec((1, STATE_DIM), lambda i: (0, 0)),
        ],
        out_specs=[
            pl.BlockSpec((BLK, STATE_DIM), lambda i: (i, 0)),
            pl.BlockSpec((1, 1), lambda i: (0, 0), memory_space=pltpu.SMEM),
        ],
        out_shape=[
            jax.ShapeDtypeStruct((N, STATE_DIM), jnp.float32),
            jax.ShapeDtypeStruct((1, 1), jnp.int32),
        ],
    )(state, p, cc, wa, wc, w2, b2)


def _t3_body(state, nodes, m1, m2, w1a, w1b, b1, w2, b2, out):
    m = m1[...] * m2[...]
    fs = state[...] * m
    fn = nodes[...] * m
    h = jnp.maximum(_dot(fs, w1a[...]) + _dot(fn, w1b[...]) + b1[...], 0.0)
    out[...] = _dot(h, w2[...]) + b2[...]


def _tc_output(state, nodes, m1, m2, w1a, w1b, b1, w2, b2):
    return pl.pallas_call(
        _t3_body,
        grid=(GRID,),
        in_specs=[
            pl.BlockSpec((BLK, STATE_DIM), lambda i: (i, 0)),
            pl.BlockSpec((BLK, D_FEAT), lambda i: (i, 0)),
            pl.BlockSpec((BLK, 1), lambda i: (i, 0)),
            pl.BlockSpec((BLK, 1), lambda i: (i, 0)),
            pl.BlockSpec((STATE_DIM, HID_O), lambda i: (0, 0)),
            pl.BlockSpec((D_FEAT, HID_O), lambda i: (0, 0)),
            pl.BlockSpec((1, HID_O), lambda i: (0, 0)),
            pl.BlockSpec((HID_O, OUT_DIM), lambda i: (0, 0)),
            pl.BlockSpec((1, OUT_DIM), lambda i: (0, 0)),
        ],
        out_specs=pl.BlockSpec((BLK, OUT_DIM), lambda i: (i, 0)),
        out_shape=jax.ShapeDtypeStruct((N, OUT_DIM), jnp.float32),
    )(state, nodes, m1, m2, w1a, w1b, b1, w2, b2)


def kernel(nodes, arcs, set_mask, output_mask, adj_indices, adj_values,
           arcnode_indices, arcnode_values, Ws1, bs1, Ws2, bs2,
           Wo1, bo1, Wo2, bo2):
    f32 = jnp.float32
    pad2 = EPAD2 - E
    pad3 = EPAD3 - E

    rows = jnp.concatenate(
        [adj_indices[:, 0], jnp.full((pad3,), N, jnp.int32)]).reshape(NW, NB3, BP)
    cols = jnp.concatenate(
        [adj_indices[:, 1], jnp.zeros((pad3,), jnp.int32)]).reshape(NW, NB3, BP)
    arows = jnp.concatenate(
        [arcnode_indices[:, 0],
         jnp.full((pad2,), N, jnp.int32)]).reshape(NW, NB2, B2)
    arcdata = jnp.pad(arcs[:, 2:], ((0, pad2), (0, STATE_DIM - D_EDGE)))
    zeros_s = jnp.zeros((ZST, STATE_DIM), f32)

    wa = Ws1[0:STATE_DIM]
    wb = Ws1[STATE_DIM:STATE_DIM + D_FEAT]
    wc = Ws1[STATE_DIM + D_FEAT:2 * STATE_DIM + D_FEAT]
    wd = Ws1[2 * STATE_DIM + D_FEAT:2 * STATE_DIM + 2 * D_FEAT]
    we = jnp.pad(Ws1[2 * STATE_DIM + 2 * D_FEAT:],
                 ((0, STATE_DIM - D_EDGE), (0, 0)))
    w1a = Wo1[:STATE_DIM]
    w1b = Wo1[STATE_DIM:]
    m1 = set_mask.astype(f32)[:, None]
    m2 = output_mask.astype(f32)[:, None]

    q = _sc_segsum(arcdata, arows, zeros_s)
    p_nodes = _sc_spmm(nodes, cols, rows, zeros_s)
    cc = _tc_precompute(nodes, p_nodes, q, wb, wd, we, bs1[None, :])

    state0 = 0.1 * jax.random.normal(
        jax.random.key(42), (N, STATE_DIM), dtype=f32)

    def cond(carry):
        _, k, flag = carry
        return jnp.logical_and(flag > 0, k < MAX_ITER)

    def body(carry):
        st, k, _ = carry
        p = _sc_spmm(st, cols, rows, zeros_s)
        ns, flag = _tc_update(st, p, cc, wa, wc, Ws2, bs2[None, :])
        return (ns, k + 1, flag[0, 0])

    state, _, _ = lax.while_loop(cond, body, (state0, jnp.int32(0), jnp.int32(1)))

    return _tc_output(state, nodes, m1, m2, w1a, w1b, bo1[None, :], Wo2,
                      bo2[None, :])

# --- scband reference (transcript-rebuilt; emitter-appended) ---
"""Pipeline reference for scband-gnnnode-based-17506286698688 (READ-ONLY COPY).

The authoritative reference and input builder live on the scoring server;
editing this copy changes nothing except your own understanding.
"""

import jax, jax.numpy as jnp
import numpy as np

N = 10000
E = 320000
D_FEAT = 128
D_EDGE = 16
STATE_DIM = 128
HID_S = 256
HID_O = 256
OUT_DIM = 32
MAX_ITER = 5
THRESHOLD = 0.01


def _spmm(indices, values, dense, n_rows):
    # sparse (COO, [nnz,2] row/col) @ dense, via gather + segment_sum (SparseCore-friendly)
    gathered = dense[indices[:, 1]] * values[:, None]
    return jax.ops.segment_sum(gathered, indices[:, 0], num_segments=n_rows)


def _net_state(x, Ws1, bs1, Ws2, bs2):
    h = jax.nn.relu(x @ Ws1 + bs1)
    return jnp.tanh(h @ Ws2 + bs2)


def _net_output(x, Wo1, bo1, Wo2, bo2):
    h = jax.nn.relu(x @ Wo1 + bo1)
    return h @ Wo2 + bo2


def setup_inputs(seed: int = 0):
    key = jax.random.key(seed)
    ks = jax.random.split(key, 12)
    nodes = jax.random.normal(ks[0], (N, D_FEAT), dtype=jnp.float32)
    arcs = jax.random.normal(ks[1], (E, 2 + D_EDGE), dtype=jnp.float32)
    set_mask = jnp.ones((N,), dtype=bool)
    output_mask = jnp.ones((N,), dtype=bool)
    adj_indices = jax.random.randint(ks[2], (E, 2), 0, N, dtype=jnp.int32)
    adj_values = jnp.ones((E,), dtype=jnp.float32)
    arcnode_indices = jnp.stack(
        [jax.random.randint(ks[3], (E,), 0, N, dtype=jnp.int32),
         jnp.arange(E, dtype=jnp.int32)], axis=1)
    arcnode_values = jnp.ones((E,), dtype=jnp.float32)
    in_state = STATE_DIM + D_FEAT + STATE_DIM + D_FEAT + D_EDGE  # 528
    Ws1 = jax.random.normal(ks[4], (in_state, HID_S), dtype=jnp.float32) * 0.05
    bs1 = jnp.zeros((HID_S,), dtype=jnp.float32)
    Ws2 = jax.random.normal(ks[5], (HID_S, STATE_DIM), dtype=jnp.float32) * 0.05
    bs2 = jnp.zeros((STATE_DIM,), dtype=jnp.float32)
    Wo1 = jax.random.normal(ks[6], (STATE_DIM + D_FEAT, HID_O), dtype=jnp.float32) * 0.05
    bo1 = jnp.zeros((HID_O,), dtype=jnp.float32)
    Wo2 = jax.random.normal(ks[7], (HID_O, OUT_DIM), dtype=jnp.float32) * 0.05
    bo2 = jnp.zeros((OUT_DIM,), dtype=jnp.float32)
    return {"nodes": nodes, "arcs": arcs, "set_mask": set_mask, "output_mask": output_mask,
            "adj_indices": adj_indices, "adj_values": adj_values,
            "arcnode_indices": arcnode_indices, "arcnode_values": arcnode_values,
            "Ws1": Ws1, "bs1": bs1, "Ws2": Ws2, "bs2": bs2,
            "Wo1": Wo1, "bo1": bo1, "Wo2": Wo2, "bo2": bo2}


def reference(nodes, arcs, set_mask, output_mask, adj_indices, adj_values,
              arcnode_indices, arcnode_values, Ws1, bs1, Ws2, bs2, Wo1, bo1, Wo2, bo2):
    # Loop(): aggregate arc labels onto nodes, aggregate neighbor node labels
    aggregated_arcs = _spmm(arcnode_indices, arcnode_values, arcs[:, 2:], N)
    aggregated_nodes = _spmm(adj_indices, adj_values, nodes, N)
    # state_vect_dim > 0: random-normal initial state, stddev 0.1
    state = 0.1 * jax.random.normal(jax.random.key(42), (N, STATE_DIM), dtype=jnp.float32)
    state_old = jnp.ones_like(state)

    def _cond(carry):
        state, state_old, k = carry
        dist = jnp.sqrt(jnp.sum(jnp.square(state - state_old), axis=1))
        norm = jnp.sqrt(jnp.sum(jnp.square(state_old), axis=1))
        return jnp.logical_and(jnp.any(dist > THRESHOLD * norm), k < MAX_ITER)

    def _body(carry):
        state, state_old, k = carry
        agg_states = _spmm(adj_indices, adj_values, state, N)
        inp_state = jnp.concatenate([state, nodes, agg_states, aggregated_nodes, aggregated_arcs], axis=1)
        state_old = state
        state = _net_state(inp_state, Ws1, bs1, Ws2, bs2)
        return (state, state_old, k + 1)

    state, state_old, k = jax.lax.while_loop(
        _cond, _body, (state, state_old, jnp.int32(0)))
    mask = jnp.logical_and(set_mask, output_mask)
    filtered = jnp.where(mask[:, None], jnp.concatenate([state, nodes], axis=1), 0.0)
    out = _net_output(filtered, Wo1, bo1, Wo2, bo2)
    return out


if False:  # reference __main__ guard neutralized (emitter)
    inp = setup_inputs()
    o = reference(**inp)
    print(o.shape)

if __name__ == "__main__":
    import jax
    _d = setup_inputs()
    print(jax.jit(kernel)(*tuple(_d.values())))

</pallas_src>

<mosaic_0001>
#map = affine_map<(d0, d1) -> (0, 0)>
#map1 = affine_map<(d0, d1) -> (0, 0, 0)>
module attributes {stable_mosaic.version = 14 : i64} {
  func.func @_sc_segsum(%arg0: i32, %arg1: i32, %arg2: memref<331776x128xf32, #tpu.memory_space<hbm>>, %arg3: memref<32x162x64xi32, #tpu.memory_space<hbm>>, %arg4: memref<632x128xf32, #tpu.memory_space<hbm>>, %arg5: memref<2x10000x128xf32, #tpu.memory_space<hbm>>, %arg6: memref<162x64xi32, #tpu.memory_space<vmem>>, %arg7: memref<64x128xf32, #tpu.memory_space<vmem>>, %arg8: memref<64x128xf32, #tpu.memory_space<vmem>>, %arg9: memref<64x128xf32, #tpu.memory_space<vmem>>, %arg10: memref<10112x128xf32, #tpu.memory_space<vmem_shared>>, %arg11: memref<!tpu.dma_semaphore, #tpu.memory_space<semaphore_mem>>, %arg12: memref<!tpu.dma_semaphore, #tpu.memory_space<semaphore_mem>>, %arg13: memref<!tpu.dma_semaphore, #tpu.memory_space<semaphore_mem>>) attributes {dimension_semantics = [#tpu.dimension_semantics<core_parallel>, #tpu.dimension_semantics<subcore_parallel>], iteration_bounds = array<i64: 2, 16>, scalar_prefetch = 0 : i64, scratch_operands = 8 : i64, tpu.core_type = #tpu.core_type<sc_vector_subcore>, window_params = [{transform_indices = #map}, {transform_indices = #map1}, {transform_indices = #map}, {transform_indices = #map1}]} {
    %mul3A = arith.constant 16 : i32
    %mul3A_0 = arith.muli %arg0, %mul3A : i32
    %add3A = arith.addi %mul3A_0, %arg1 : i32
    %dma_start3A = arith.constant 0 : i32
    %dma_start3A_1 = arith.constant 0 : i32
    %dma_start3A_2 = tpu.memref_slice %arg3[%add3A, %dma_start3A, %dma_start3A_1] : memref<32x162x64xi32, #tpu.memory_space<hbm>> -> memref<1x162x64xi32, #tpu.memory_space<hbm>>
    %dma_start3A_3 = tpu.memref_squeeze %dma_start3A_2 : memref<1x162x64xi32, #tpu.memory_space<hbm>> -> memref<162x64xi32, #tpu.memory_space<hbm>>
    %dma_start3A_4 = arith.constant 0 : i32
    %dma_start3A_5 = arith.constant 0 : i32
    %dma_start3A_6 = tpu.memref_slice %arg3[%add3A, %dma_start3A_4, %dma_start3A_5] : memref<32x162x64xi32, #tpu.memory_space<hbm>> -> memref<1x162x64xi32, #tpu.memory_space<hbm>>
    %dma_start3A_7 = tpu.memref_squeeze %dma_start3A_6 : memref<1x162x64xi32, #tpu.memory_space<hbm>> -> memref<162x64xi32, #tpu.memory_space<hbm>>
    tpu.enqueue_dma source(%dma_start3A_7 : memref<162x64xi32, #tpu.memory_space<hbm>>) target(%arg6 : memref<162x64xi32, #tpu.memory_space<vmem>>) target_semaphore(%arg11 : memref<!tpu.dma_semaphore, #tpu.memory_space<semaphore_mem>>)
    %mul3A_8 = arith.constant 632 : i32
    %mul3A_9 = arith.muli %arg1, %mul3A_8 : i32
    %dma_start3A_10 = arith.constant 0 : i32
    %dma_start3A_11 = tpu.memref_slice %arg10[%mul3A_9, %dma_start3A_10] : memref<10112x128xf32, #tpu.memory_space<vmem_shared>> -> memref<632x128xf32, #tpu.memory_space<vmem_shared>>
    tpu.enqueue_dma source(%arg4 : memref<632x128xf32, #tpu.memory_space<hbm>>) target(%dma_start3A_11 : memref<632x128xf32, #tpu.memory_space<vmem_shared>>) target_semaphore(%arg11 : memref<!tpu.dma_semaphore, #tpu.memory_space<semaphore_mem>>)
    %dma_wait3A = arith.constant 0 : i32
    %dma_wait3A_12 = arith.constant 0 : i32
    %dma_wait3A_13 = tpu.memref_slice %arg3[%add3A, %dma_wait3A, %dma_wait3A_12] : memref<32x162x64xi32, #tpu.memory_space<hbm>> -> memref<1x162x64xi32, #tpu.memory_space<hbm>>
    %dma_wait3A_14 = tpu.memref_squeeze %dma_wait3A_13 : memref<1x162x64xi32, #tpu.memory_space<hbm>> -> memref<162x64xi32, #tpu.memory_space<hbm>>
    %dma_wait3A_15 = arith.constant 0 : i32
    %dma_wait3A_16 = arith.constant 0 : i32
    %dma_wait3A_17 = tpu.memref_slice %arg3[%add3A, %dma_wait3A_15, %dma_wait3A_16] : memref<32x162x64xi32, #tpu.memory_space<hbm>> -> memref<1x162x64xi32, #tpu.memory_space<hbm>>
    %dma_wait3A_18 = tpu.memref_squeeze %dma_wait3A_17 : memref<1x162x64xi32, #tpu.memory_space<hbm>> -> memref<162x64xi32, #tpu.memory_space<hbm>>
    tpu.wait_dma2 semaphore(%arg11 : memref<!tpu.dma_semaphore, #tpu.memory_space<semaphore_mem>>) src(%dma_wait3A_18 : memref<162x64xi32, #tpu.memory_space<hbm>>) dst(%arg6 : memref<162x64xi32, #tpu.memory_space<vmem>>)
    %mul3A_19 = arith.constant 10368 : i32
    %mul3A_20 = arith.muli %add3A, %mul3A_19 : i32
    %dma_start3A_21 = arith.constant 0 : i32
    %dma_start3A_22 = tpu.memref_slice %arg2[%mul3A_20, %dma_start3A_21] : memref<331776x128xf32, #tpu.memory_space<hbm>> -> memref<64x128xf32, #tpu.memory_space<hbm>>
    %dma_start3A_23 = arith.constant 0 : i32
    %dma_start3A_24 = tpu.memref_slice %arg2[%mul3A_20, %dma_start3A_23] : memref<331776x128xf32, #tpu.memory_space<hbm>> -> memref<64x128xf32, #tpu.memory_space<hbm>>
    tpu.enqueue_dma source(%dma_start3A_24 : memref<64x128xf32, #tpu.memory_space<hbm>>) target(%arg7 : memref<64x128xf32, #tpu.memory_space<vmem>>) target_semaphore(%arg12 : memref<!tpu.dma_semaphore, #tpu.memory_space<semaphore_mem>>)
    %mul3A_25 = arith.constant 10368 : i32
    %mul3A_26 = arith.muli %add3A, %mul3A_25 : i32
    %add3A_27 = arith.constant 64 : i32
    %add3A_28 = arith.addi %mul3A_26, %add3A_27 : i32
    %dma_start3A_29 = arith.constant 0 : i32
    %dma_start3A_30 = tpu.memref_slice %arg2[%add3A_28, %dma_start3A_29] : memref<331776x128xf32, #tpu.memory_space<hbm>> -> memref<64x128xf32, #tpu.memory_space<hbm>>
    %dma_start3A_31 = arith.constant 0 : i32
    %dma_start3A_32 = tpu.memref_slice %arg2[%add3A_28, %dma_start3A_31] : memref<331776x128xf32, #tpu.memory_space<hbm>> -> memref<64x128xf32, #tpu.memory_space<hbm>>
    tpu.enqueue_dma source(%dma_start3A_32 : memref<64x128xf32, #tpu.memory_space<hbm>>) target(%arg8 : memref<64x128xf32, #tpu.memory_space<vmem>>) target_semaphore(%arg12 : memref<!tpu.dma_semaphore, #tpu.memory_space<semaphore_mem>>)
    %dma_wait3A_33 = arith.constant 0 : i32
    %dma_wait3A_34 = tpu.memref_slice %arg10[%mul3A_9, %dma_wait3A_33] : memref<10112x128xf32, #tpu.memory_space<vmem_shared>> -> memref<632x128xf32, #tpu.memory_space<vmem_shared>>
    tpu.wait_dma2 semaphore(%arg11 : memref<!tpu.dma_semaphore, #tpu.memory_space<semaphore_mem>>) src(%arg4 : memref<632x128xf32, #tpu.memory_space<hbm>>) dst(%dma_wait3A_34 : memref<632x128xf32, #tpu.memory_space<vmem_shared>>)
    %barrier3A = arith.constant 0 : index
    tpu.barrier barrier_id(%barrier3A)
    %scan3A = arith.constant 0 : i32
    %scan3A_35 = arith.constant 0 : i32
    %scan3A_36 = arith.constant 54 : i32
    %scan3A_37 = arith.addi %scan3A_35, %scan3A_36 : i32
    %scan3A_38 = arith.constant 1 : i32
    scf.for %scan3A_54 = %scan3A_35 to %scan3A_37 step %scan3A_38  : i32 {
      %mul3A_55 = arith.constant 3 : i32
      %mul3A_56 = arith.muli %mul3A_55, %scan3A_54 : i32
      %add3A_57 = arith.constant 0 : i32
      %add3A_58 = arith.addi %mul3A_56, %add3A_57 : i32
      %mul3A_59 = arith.constant 10368 : i32
      %mul3A_60 = arith.muli %add3A, %mul3A_59 : i32
      %mul3A_61 = arith.constant 64 : i32
      %mul3A_62 = arith.muli %add3A_58, %mul3A_61 : i32
      %add3A_63 = arith.addi %mul3A_60, %mul3A_62 : i32
      %dma_wait3A_64 = arith.constant 0 : i32
      %dma_wait3A_65 = tpu.memref_slice %arg2[%add3A_63, %dma_wait3A_64] : memref<331776x128xf32, #tpu.memory_space<hbm>> -> memref<64x128xf32, #tpu.memory_space<hbm>>
      %dma_wait3A_66 = arith.constant 0 : i32
      %dma_wait3A_67 = tpu.memref_slice %arg2[%add3A_63, %dma_wait3A_66] : memref<331776x128xf32, #tpu.memory_space<hbm>> -> memref<64x128xf32, #tpu.memory_space<hbm>>
      tpu.wait_dma2 semaphore(%arg12 : memref<!tpu.dma_semaphore, #tpu.memory_space<semaphore_mem>>) src(%dma_wait3A_67 : memref<64x128xf32, #tpu.memory_space<hbm>>) dst(%arg7 : memref<64x128xf32, #tpu.memory_space<vmem>>)
      %dma_start3A_68 = arith.constant 0 : i32
      %dma_start3A_69 = tpu.memref_slice %arg6[%add3A_58, %dma_start3A_68] : memref<162x64xi32, #tpu.memory_space<vmem>> -> memref<1x64xi32, #tpu.memory_space<vmem>>
      %dma_start3A_70 = tpu.memref_squeeze %dma_start3A_69 : memref<1x64xi32, #tpu.memory_space<vmem>> -> memref<64xi32, #tpu.memory_space<vmem>>
      %dma_start3A_71 = arith.constant 0 : i32
      %dma_start3A_72 = arith.constant 0 : i32
      %dma_start3A_73 = tpu.memref_slice %arg10[%dma_start3A_71, %dma_start3A_72] : memref<10112x128xf32, #tpu.memory_space<vmem_shared>> -> memref<10112x128xf32, #tpu.memory_space<vmem_shared>>
      tpu.enqueue_indirect_dma source(%arg7 : memref<64x128xf32, #tpu.memory_space<vmem>>) target(%dma_start3A_73 : memref<10112x128xf32, #tpu.memory_space<vmem_shared>>) offsets(%dma_start3A_70 : memref<64xi32, #tpu.memory_space<vmem>>) semaphore(%arg13 : memref<!tpu.dma_semaphore, #tpu.memory_space<semaphore_mem>>) {add = true}
      %ge3A = arith.constant 1 : i32
      %ge3A_74 = arith.cmpi sge, %add3A_58, %ge3A : i32
      %convert_element_type3A_75 = arith.extui %ge3A_74 : i1 to i32
      %cond3A_76 = arith.constant 0 : i32
      %cond3A_77 = arith.cmpi ne, %convert_element_type3A_75, %cond3A_76 : i32
      scf.if %cond3A_77 {
        %sub3A = arith.constant 1 : i32
        %sub3A_147 = arith.subi %add3A_58, %sub3A : i32
        %dma_wait3A_148 = arith.constant 0 : i32
        %dma_wait3A_149 = tpu.memref_slice %arg6[%sub3A_147, %dma_wait3A_148] : memref<162x64xi32, #tpu.memory_space<vmem>> -> memref<1x64xi32, #tpu.memory_space<vmem>>
        %dma_wait3A_150 = tpu.memref_squeeze %dma_wait3A_149 : memref<1x64xi32, #tpu.memory_space<vmem>> -> memref<64xi32, #tpu.memory_space<vmem>>
        %dma_wait3A_151 = arith.constant 0 : i32
        %dma_wait3A_152 = arith.constant 0 : i32
        %dma_wait3A_153 = tpu.memref_slice %arg10[%dma_wait3A_151, %dma_wait3A_152] : memref<10112x128xf32, #tpu.memory_space<vmem_shared>> -> memref<10112x128xf32, #tpu.memory_space<vmem_shared>>
        tpu.wait_indirect_dma semaphore(%arg13 : memref<!tpu.dma_semaphore, #tpu.memory_space<semaphore_mem>>) src(%arg9 : memref<64x128xf32, #tpu.memory_space<vmem>>) dst(%dma_wait3A_153 : memref<10112x128xf32, #tpu.memory_space<vmem_shared>>)
      } else {
      }
      %add3A_78 = arith.constant 2 : i32
      %add3A_79 = arith.addi %add3A_58, %add3A_78 : i32
      %lt3A_80 = arith.constant 162 : i32
      %lt3A_81 = arith.cmpi slt, %add3A_79, %lt3A_80 : i32
      %convert_element_type3A_82 = arith.extui %lt3A_81 : i1 to i32
      %cond3A_83 = arith.constant 0 : i32
      %cond3A_84 = arith.cmpi ne, %convert_element_type3A_82, %cond3A_83 : i32
      scf.if %cond3A_84 {
        %mul3A_147 = arith.constant 10368 : i32
        %mul3A_148 = arith.muli %add3A, %mul3A_147 : i32
        %add3A_149 = arith.constant 2 : i32
        %add3A_150 = arith.addi %add3A_58, %add3A_149 : i32
        %mul3A_151 = arith.constant 64 : i32
        %mul3A_152 = arith.muli %add3A_150, %mul3A_151 : i32
        %add3A_153 = arith.addi %mul3A_148, %mul3A_152 : i32
        %dma_start3A_154 = arith.constant 0 : i32
        %dma_start3A_155 = tpu.memref_slice %arg2[%add3A_153, %dma_start3A_154] : memref<331776x128xf32, #tpu.memory_space<hbm>> -> memref<64x128xf32, #tpu.memory_space<hbm>>
        %dma_start3A_156 = arith.constant 0 : i32
        %dma_start3A_157 = tpu.memref_slice %arg2[%add3A_153, %dma_start3A_156] : memref<331776x128xf32, #tpu.memory_space<hbm>> -> memref<64x128xf32, #tpu.memory_space<hbm>>
        tpu.enqueue_dma source(%dma_start3A_157 : memref<64x128xf32, #tpu.memory_space<hbm>>) target(%arg9 : memref<64x128xf32, #tpu.memory_space<vmem>>) target_semaphore(%arg12 : memref<!tpu.dma_semaphore, #tpu.memory_space<semaphore_mem>>)
      } else {
      }
      %mul3A_85 = arith.constant 3 : i32
      %mul3A_86 = arith.muli %mul3A_85, %scan3A_54 : i32
      %add3A_87 = arith.constant 1 : i32
      %add3A_88 = arith.addi %mul3A_86, %add3A_87 : i32
      %mul3A_89 = arith.constant 10368 : i32
      %mul3A_90 = arith.muli %add3A, %mul3A_89 : i32
      %mul3A_91 = arith.constant 64 : i32
      %mul3A_92 = arith.muli %add3A_88, %mul3A_91 : i32
      %add3A_93 = arith.addi %mul3A_90, %mul3A_92 : i32
      %dma_wait3A_94 = arith.constant 0 : i32
      %dma_wait3A_95 = tpu.memref_slice %arg2[%add3A_93, %dma_wait3A_94] : memref<331776x128xf32, #tpu.memory_space<hbm>> -> memref<64x128xf32, #tpu.memory_space<hbm>>
      %dma_wait3A_96 = arith.constant 0 : i32
      %dma_wait3A_97 = tpu.memref_slice %arg2[%add3A_93, %dma_wait3A_96] : memref<331776x128xf32, #tpu.memory_space<hbm>> -> memref<64x128xf32, #tpu.memory_space<hbm>>
      tpu.wait_dma2 semaphore(%arg12 : memref<!tpu.dma_semaphore, #tpu.memory_space<semaphore_mem>>) src(%dma_wait3A_97 : memref<64x128xf32, #tpu.memory_space<hbm>>) dst(%arg8 : memref<64x128xf32, #tpu.memory_space<vmem>>)
      %dma_start3A_98 = arith.constant 0 : i32
      %dma_start3A_99 = tpu.memref_slice %arg6[%add3A_88, %dma_start3A_98] : memref<162x64xi32, #tpu.memory_space<vmem>> -> memref<1x64xi32, #tpu.memory_space<vmem>>
      %dma_start3A_100 = tpu.memref_squeeze %dma_start3A_99 : memref<1x64xi32, #tpu.memory_space<vmem>> -> memref<64xi32, #tpu.memory_space<vmem>>
      %dma_start3A_101 = arith.constant 0 : i32
      %dma_start3A_102 = arith.constant 0 : i32
      %dma_start3A_103 = tpu.memref_slice %arg10[%dma_start3A_101, %dma_start3A_102] : memref<10112x128xf32, #tpu.memory_space<vmem_shared>> -> memref<10112x128xf32, #tpu.memory_space<vmem_shared>>
      tpu.enqueue_indirect_dma source(%arg8 : memref<64x128xf32, #tpu.memory_space<vmem>>) target(%dma_start3A_103 : memref<10112x128xf32, #tpu.memory_space<vmem_shared>>) offsets(%dma_start3A_100 : memref<64xi32, #tpu.memory_space<vmem>>) semaphore(%arg13 : memref<!tpu.dma_semaphore, #tpu.memory_space<semaphore_mem>>) {add = true}
      %ge3A_104 = arith.constant 1 : i32
      %ge3A_105 = arith.cmpi sge, %add3A_88, %ge3A_104 : i32
      %convert_element_type3A_106 = arith.extui %ge3A_105 : i1 to i32
      %cond3A_107 = arith.constant 0 : i32
      %cond3A_108 = arith.cmpi ne, %convert_element_type3A_106, %cond3A_107 : i32
      scf.if %cond3A_108 {
        %sub3A = arith.constant 1 : i32
        %sub3A_147 = arith.subi %add3A_88, %sub3A : i32
        %dma_wait3A_148 = arith.constant 0 : i32
        %dma_wait3A_149 = tpu.memref_slice %arg6[%sub3A_147, %dma_wait3A_148] : memref<162x64xi32, #tpu.memory_space<vmem>> -> memref<1x64xi32, #tpu.memory_space<vmem>>
        %dma_wait3A_150 = tpu.memref_squeeze %dma_wait3A_149 : memref<1x64xi32, #tpu.memory_space<vmem>> -> memref<64xi32, #tpu.memory_space<vmem>>
        %dma_wait3A_151 = arith.constant 0 : i32
        %dma_wait3A_152 = arith.constant 0 : i32
        %dma_wait3A_153 = tpu.memref_slice %arg10[%dma_wait3A_151, %dma_wait3A_152] : memref<10112x128xf32, #tpu.memory_space<vmem_shared>> -> memref<10112x128xf32, #tpu.memory_space<vmem_shared>>
        tpu.wait_indirect_dma semaphore(%arg13 : memref<!tpu.dma_semaphore, #tpu.memory_space<semaphore_mem>>) src(%arg7 : memref<64x128xf32, #tpu.memory_space<vmem>>) dst(%dma_wait3A_153 : memref<10112x128xf32, #tpu.memory_space<vmem_shared>>)
      } else {
      }
      %add3A_109 = arith.constant 2 : i32
      %add3A_110 = arith.addi %add3A_88, %add3A_109 : i32
      %lt3A_111 = arith.constant 162 : i32
      %lt3A_112 = arith.cmpi slt, %add3A_110, %lt3A_111 : i32
      %convert_element_type3A_113 = arith.extui %lt3A_112 : i1 to i32
      %cond3A_114 = arith.constant 0 : i32
      %cond3A_115 = arith.cmpi ne, %convert_element_type3A_113, %cond3A_114 : i32
      scf.if %cond3A_115 {
        %mul3A_147 = arith.constant 10368 : i32
        %mul3A_148 = arith.muli %add3A, %mul3A_147 : i32
        %add3A_149 = arith.constant 2 : i32
        %add3A_150 = arith.addi %add3A_88, %add3A_149 : i32
        %mul3A_151 = arith.constant 64 : i32
        %mul3A_152 = arith.muli %add3A_150, %mul3A_151 : i32
        %add3A_153 = arith.addi %mul3A_148, %mul3A_152 : i32
        %dma_start3A_154 = arith.constant 0 : i32
        %dma_start3A_155 = tpu.memref_slice %arg2[%add3A_153, %dma_start3A_154] : memref<331776x128xf32, #tpu.memory_space<hbm>> -> memref<64x128xf32, #tpu.memory_space<hbm>>
        %dma_start3A_156 = arith.constant 0 : i32
        %dma_start3A_157 = tpu.memref_slice %arg2[%add3A_153, %dma_start3A_156] : memref<331776x128xf32, #tpu.memory_space<hbm>> -> memref<64x128xf32, #tpu.memory_space<hbm>>
        tpu.enqueue_dma source(%dma_start3A_157 : memref<64x128xf32, #tpu.memory_space<hbm>>) target(%arg7 : memref<64x128xf32, #tpu.memory_space<vmem>>) target_semaphore(%arg12 : memref<!tpu.dma_semaphore, #tpu.memory_space<semaphore_mem>>)
      } else {
      }
      %mul3A_116 = arith.constant 3 : i32
      %mul3A_117 = arith.muli %mul3A_116, %scan3A_54 : i32
      %add3A_118 = arith.constant 2 : i32
      %add3A_119 = arith.addi %mul3A_117, %add3A_118 : i32
      %mul3A_120 = arith.constant 10368 : i32
      %mul3A_121 = arith.muli %add3A, %mul3A_120 : i32
      %mul3A_122 = arith.constant 64 : i32
      %mul3A_123 = arith.muli %add3A_119, %mul3A_122 : i32
      %add3A_124 = arith.addi %mul3A_121, %mul3A_123 : i32
      %dma_wait3A_125 = arith.constant 0 : i32
      %dma_wait3A_126 = tpu.memref_slice %arg2[%add3A_124, %dma_wait3A_125] : memref<331776x128xf32, #tpu.memory_space<hbm>> -> memref<64x128xf32, #tpu.memory_space<hbm>>
      %dma_wait3A_127 = arith.constant 0 : i32
      %dma_wait3A_128 = tpu.memref_slice %arg2[%add3A_124, %dma_wait3A_127] : memref<331776x128xf32, #tpu.memory_space<hbm>> -> memref<64x128xf32, #tpu.memory_space<hbm>>
      tpu.wait_dma2 semaphore(%arg12 : memref<!tpu.dma_semaphore, #tpu.memory_space<semaphore_mem>>) src(%dma_wait3A_128 : memref<64x128xf32, #tpu.memory_space<hbm>>) dst(%arg9 : memref<64x128xf32, #tpu.memory_space<vmem>>)
      %dma_start3A_129 = arith.constant 0 : i32
      %dma_start3A_130 = tpu.memref_slice %arg6[%add3A_119, %dma_start3A_129] : memref<162x64xi32, #tpu.memory_space<vmem>> -> memref<1x64xi32, #tpu.memory_space<vmem>>
      %dma_start3A_131 = tpu.memref_squeeze %dma_start3A_130 : memref<1x64xi32, #tpu.memory_space<vmem>> -> memref<64xi32, #tpu.memory_space<vmem>>
      %dma_start3A_132 = arith.constant 0 : i32
      %dma_start3A_133 = arith.constant 0 : i32
      %dma_start3A_134 = tpu.memref_slice %arg10[%dma_start3A_132, %dma_start3A_133] : memref<10112x128xf32, #tpu.memory_space<vmem_shared>> -> memref<10112x128xf32, #tpu.memory_space<vmem_shared>>
      tpu.enqueue_indirect_dma source(%arg9 : memref<64x128xf32, #tpu.memory_space<vmem>>) target(%dma_start3A_134 : memref<10112x128xf32, #tpu.memory_space<vmem_shared>>) offsets(%dma_start3A_131 : memref<64xi32, #tpu.memory_space<vmem>>) semaphore(%arg13 : memref<!tpu.dma_semaphore, #tpu.memory_space<semaphore_mem>>) {add = true}
      %ge3A_135 = arith.constant 1 : i32
      %ge3A_136 = arith.cmpi sge, %add3A_119, %ge3A_135 : i32
      %convert_element_type3A_137 = arith.extui %ge3A_136 : i1 to i32
      %cond3A_138 = arith.constant 0 : i32
      %cond3A_139 = arith.cmpi ne, %convert_element_type3A_137, %cond3A_138 : i32
      scf.if %cond3A_139 {
        %sub3A = arith.constant 1 : i32
        %sub3A_147 = arith.subi %add3A_119, %sub3A : i32
        %dma_wait3A_148 = arith.constant 0 : i32
        %dma_wait3A_149 = tpu.memref_slice %arg6[%sub3A_147, %dma_wait3A_148] : memref<162x64xi32, #tpu.memory_space<vmem>> -> memref<1x64xi32, #tpu.memory_space<vmem>>
        %dma_wait3A_150 = tpu.memref_squeeze %dma_wait3A_149 : memref<1x64xi32, #tpu.memory_space<vmem>> -> memref<64xi32, #tpu.memory_space<vmem>>
        %dma_wait3A_151 = arith.constant 0 : i32
        %dma_wait3A_152 = arith.constant 0 : i32
        %dma_wait3A_153 = tpu.memref_slice %arg10[%dma_wait3A_151, %dma_wait3A_152] : memref<10112x128xf32, #tpu.memory_space<vmem_shared>> -> memref<10112x128xf32, #tpu.memory_space<vmem_shared>>
        tpu.wait_indirect_dma semaphore(%arg13 : memref<!tpu.dma_semaphore, #tpu.memory_space<semaphore_mem>>) src(%arg8 : memref<64x128xf32, #tpu.memory_space<vmem>>) dst(%dma_wait3A_153 : memref<10112x128xf32, #tpu.memory_space<vmem_shared>>)
      } else {
      }
      %add3A_140 = arith.constant 2 : i32
      %add3A_141 = arith.addi %add3A_119, %add3A_140 : i32
      %lt3A_142 = arith.constant 162 : i32
      %lt3A_143 = arith.cmpi slt, %add3A_141, %lt3A_142 : i32
      %convert_element_type3A_144 = arith.extui %lt3A_143 : i1 to i32
      %cond3A_145 = arith.constant 0 : i32
      %cond3A_146 = arith.cmpi ne, %convert_element_type3A_144, %cond3A_145 : i32
      scf.if %cond3A_146 {
        %mul3A_147 = arith.constant 10368 : i32
        %mul3A_148 = arith.muli %add3A, %mul3A_147 : i32
        %add3A_149 = arith.constant 2 : i32
        %add3A_150 = arith.addi %add3A_119, %add3A_149 : i32
        %mul3A_151 = arith.constant 64 : i32
        %mul3A_152 = arith.muli %add3A_150, %mul3A_151 : i32
        %add3A_153 = arith.addi %mul3A_148, %mul3A_152 : i32
        %dma_start3A_154 = arith.constant 0 : i32
        %dma_start3A_155 = tpu.memref_slice %arg2[%add3A_153, %dma_start3A_154] : memref<331776x128xf32, #tpu.memory_space<hbm>> -> memref<64x128xf32, #tpu.memory_space<hbm>>
        %dma_start3A_156 = arith.constant 0 : i32
        %dma_start3A_157 = tpu.memref_slice %arg2[%add3A_153, %dma_start3A_156] : memref<331776x128xf32, #tpu.memory_space<hbm>> -> memref<64x128xf32, #tpu.memory_space<hbm>>
        tpu.enqueue_dma source(%dma_start3A_157 : memref<64x128xf32, #tpu.memory_space<hbm>>) target(%arg8 : memref<64x128xf32, #tpu.memory_space<vmem>>) target_semaphore(%arg12 : memref<!tpu.dma_semaphore, #tpu.memory_space<semaphore_mem>>)
      } else {
      }
    }
    %scan3A_39 = arith.constant 54 : i32
    %dma_wait3A_40 = arith.constant 161 : i32
    %dma_wait3A_41 = arith.constant 0 : i32
    %dma_wait3A_42 = tpu.memref_slice %arg6[%dma_wait3A_40, %dma_wait3A_41] : memref<162x64xi32, #tpu.memory_space<vmem>> -> memref<1x64xi32, #tpu.memory_space<vmem>>
    %dma_wait3A_43 = tpu.memref_squeeze %dma_wait3A_42 : memref<1x64xi32, #tpu.memory_space<vmem>> -> memref<64xi32, #tpu.memory_space<vmem>>
    %dma_wait3A_44 = arith.constant 0 : i32
    %dma_wait3A_45 = arith.constant 0 : i32
    %dma_wait3A_46 = tpu.memref_slice %arg10[%dma_wait3A_44, %dma_wait3A_45] : memref<10112x128xf32, #tpu.memory_space<vmem_shared>> -> memref<10112x128xf32, #tpu.memory_space<vmem_shared>>
    tpu.wait_indirect_dma semaphore(%arg13 : memref<!tpu.dma_semaphore, #tpu.memory_space<semaphore_mem>>) src(%arg9 : memref<64x128xf32, #tpu.memory_space<vmem>>) dst(%dma_wait3A_46 : memref<10112x128xf32, #tpu.memory_space<vmem_shared>>)
    %barrier3A_47 = arith.constant 0 : index
    tpu.barrier barrier_id(%barrier3A_47)
    %lt3A = arith.constant 15 : i32
    %lt3A_48 = arith.cmpi slt, %arg1, %lt3A : i32
    %convert_element_type3A = arith.extui %lt3A_48 : i1 to i32
    %cond3A = arith.constant 0 : i32
    %cond3A_49 = arith.cmpi ne, %convert_element_type3A, %cond3A : i32
    scf.if %cond3A_49 {
      %mul3A_54 = arith.constant 640 : i32
      %mul3A_55 = arith.muli %arg1, %mul3A_54 : i32
      %mul3A_56 = arith.constant 640 : i32
      %mul3A_57 = arith.muli %arg1, %mul3A_56 : i32
      "tpu.region"() ({
        %run_scoped3A = tpu.sem_alloc : memref<!tpu.dma_semaphore, #tpu.memory_space<semaphore_mem>>
        %dma_start3A_58 = arith.constant 0 : i32
        %dma_start3A_59 = tpu.memref_slice %arg5[%arg0, %mul3A_57, %dma_start3A_58] : memref<2x10000x128xf32, #tpu.memory_space<hbm>> -> memref<1x640x128xf32, #tpu.memory_space<hbm>>
        %dma_start3A_60 = tpu.memref_squeeze %dma_start3A_59 : memref<1x640x128xf32, #tpu.memory_space<hbm>> -> memref<640x128xf32, #tpu.memory_space<hbm>>
        %dma_start3A_61 = arith.constant 0 : i32
        %dma_start3A_62 = tpu.memref_slice %arg10[%mul3A_55, %dma_start3A_61] : memref<10112x128xf32, #tpu.memory_space<vmem_shared>> -> memref<640x128xf32, #tpu.memory_space<vmem_shared>>
        tpu.enqueue_dma source(%dma_start3A_62 : memref<640x128xf32, #tpu.memory_space<vmem_shared>>) target(%dma_start3A_60 : memref<640x128xf32, #tpu.memory_space<hbm>>) target_semaphore(%run_scoped3A : memref<!tpu.dma_semaphore, #tpu.memory_space<semaphore_mem>>)
        %dma_wait3A_63 = arith.constant 0 : i32
        %dma_wait3A_64 = tpu.memref_slice %arg5[%arg0, %mul3A_57, %dma_wait3A_63] : memref<2x10000x128xf32, #tpu.memory_space<hbm>> -> memref<1x640x128xf32, #tpu.memory_space<hbm>>
        %dma_wait3A_65 = tpu.memref_squeeze %dma_wait3A_64 : memref<1x640x128xf32, #tpu.memory_space<hbm>> -> memref<640x128xf32, #tpu.memory_space<hbm>>
        %dma_wait3A_66 = arith.constant 0 : i32
        %dma_wait3A_67 = tpu.memref_slice %arg10[%mul3A_55, %dma_wait3A_66] : memref<10112x128xf32, #tpu.memory_space<vmem_shared>> -> memref<640x128xf32, #tpu.memory_space<vmem_shared>>
        tpu.wait_dma2 semaphore(%run_scoped3A : memref<!tpu.dma_semaphore, #tpu.memory_space<semaphore_mem>>) src(%dma_wait3A_67 : memref<640x128xf32, #tpu.memory_space<vmem_shared>>) dst(%dma_wait3A_65 : memref<640x128xf32, #tpu.memory_space<hbm>>)
        tpu.yield
      }) : () -> ()
    } else {
    }
    %eq3A = arith.constant 15 : i32
    %eq3A_50 = arith.cmpi eq, %arg1, %eq3A : i32
    %convert_element_type3A_51 = arith.extui %eq3A_50 : i1 to i32
    %cond3A_52 = arith.constant 0 : i32
    %cond3A_53 = arith.cmpi ne, %convert_element_type3A_51, %cond3A_52 : i32
    scf.if %cond3A_53 {
      "tpu.region"() ({
        %run_scoped3A = tpu.sem_alloc : memref<!tpu.dma_semaphore, #tpu.memory_space<semaphore_mem>>
        %dma_start3A_54 = arith.constant 9600 : i32
        %dma_start3A_55 = arith.constant 0 : i32
        %dma_start3A_56 = tpu.memref_slice %arg5[%arg0, %dma_start3A_54, %dma_start3A_55] : memref<2x10000x128xf32, #tpu.memory_space<hbm>> -> memref<1x400x128xf32, #tpu.memory_space<hbm>>
        %dma_start3A_57 = tpu.memref_squeeze %dma_start3A_56 : memref<1x400x128xf32, #tpu.memory_space<hbm>> -> memref<400x128xf32, #tpu.memory_space<hbm>>
        %dma_start3A_58 = arith.constant 9600 : i32
        %dma_start3A_59 = arith.constant 0 : i32
        %dma_start3A_60 = tpu.memref_slice %arg10[%dma_start3A_58, %dma_start3A_59] : memref<10112x128xf32, #tpu.memory_space<vmem_shared>> -> memref<400x128xf32, #tpu.memory_space<vmem_shared>>
        tpu.enqueue_dma source(%dma_start3A_60 : memref<400x128xf32, #tpu.memory_space<vmem_shared>>) target(%dma_start3A_57 : memref<400x128xf32, #tpu.memory_space<hbm>>) target_semaphore(%run_scoped3A : memref<!tpu.dma_semaphore, #tpu.memory_space<semaphore_mem>>)
        %dma_wait3A_61 = arith.constant 9600 : i32
        %dma_wait3A_62 = arith.constant 0 : i32
        %dma_wait3A_63 = tpu.memref_slice %arg5[%arg0, %dma_wait3A_61, %dma_wait3A_62] : memref<2x10000x128xf32, #tpu.memory_space<hbm>> -> memref<1x400x128xf32, #tpu.memory_space<hbm>>
        %dma_wait3A_64 = tpu.memref_squeeze %dma_wait3A_63 : memref<1x400x128xf32, #tpu.memory_space<hbm>> -> memref<400x128xf32, #tpu.memory_space<hbm>>
        %dma_wait3A_65 = arith.constant 9600 : i32
        %dma_wait3A_66 = arith.constant 0 : i32
        %dma_wait3A_67 = tpu.memref_slice %arg10[%dma_wait3A_65, %dma_wait3A_66] : memref<10112x128xf32, #tpu.memory_space<vmem_shared>> -> memref<400x128xf32, #tpu.memory_space<vmem_shared>>
        tpu.wait_dma2 semaphore(%run_scoped3A : memref<!tpu.dma_semaphore, #tpu.memory_space<semaphore_mem>>) src(%dma_wait3A_67 : memref<400x128xf32, #tpu.memory_space<vmem_shared>>) dst(%dma_wait3A_64 : memref<400x128xf32, #tpu.memory_space<hbm>>)
        tpu.yield
      }) : () -> ()
    } else {
    }
    return
  }
}

#map = affine_map<(d0, d1) -> (0, 0)>
#map1 = affine_map<(d0, d1) -> (0, 0, 0)>
module attributes {stable_mosaic.version = 14 : i64} {
  func.func @_sc_spmm(%arg0: i32, %arg1: i32, %arg2: memref<10000x128xf32, #tpu.memory_space<hbm>>, %arg3: memref<32x80x128xi32, #tpu.memory_space<hbm>>, %arg4: memref<32x80x128xi32, #tpu.memory_space<hbm>>, %arg5: memref<632x128xf32, #tpu.memory_space<hbm>>, %arg6: memref<2x10000x128xf32, #tpu.memory_space<hbm>>, %arg7: memref<80x128xi32, #tpu.memory_space<vmem>>, %arg8: memref<80x128xi32, #tpu.memory_space<vmem>>, %arg9: memref<128x128xf32, #tpu.memory_space<vmem>>, %arg10: memref<10112x128xf32, #tpu.memory_space<vmem_shared>>, %arg11: memref<!tpu.dma_semaphore, #tpu.memory_space<semaphore_mem>>, %arg12: memref<!tpu.dma_semaphore, #tpu.memory_space<semaphore_mem>>, %arg13: memref<!tpu.dma_semaphore, #tpu.memory_space<semaphore_mem>>) attributes {dimension_semantics = [#tpu.dimension_semantics<core_parallel>, #tpu.dimension_semantics<subcore_parallel>], iteration_bounds = array<i64: 2, 16>, scalar_prefetch = 0 : i64, scratch_operands = 7 : i64, tpu.core_type = #tpu.core_type<sc_vector_subcore>, window_params = [{transform_indices = #map}, {transform_indices = #map1}, {transform_indices = #map1}, {transform_indices = #map}, {transform_indices = #map1}]} {
    %mul3A = arith.constant 16 : i32
    %mul3A_0 = arith.muli %arg0, %mul3A : i32
    %add3A = arith.addi %mul3A_0, %arg1 : i32
    %dma_start3A = arith.constant 0 : i32
    %dma_start3A_1 = arith.constant 0 : i32
    %dma_start3A_2 = tpu.memref_slice %arg3[%add3A, %dma_start3A, %dma_start3A_1] : memref<32x80x128xi32, #tpu.memory_space<hbm>> -> memref<1x80x128xi32, #tpu.memory_space<hbm>>
    %dma_start3A_3 = tpu.memref_squeeze %dma_start3A_2 : memref<1x80x128xi32, #tpu.memory_space<hbm>> -> memref<80x128xi32, #tpu.memory_space<hbm>>
    %dma_start3A_4 = arith.constant 0 : i32
    %dma_start3A_5 = arith.constant 0 : i32
    %dma_start3A_6 = tpu.memref_slice %arg3[%add3A, %dma_start3A_4, %dma_start3A_5] : memref<32x80x128xi32, #tpu.memory_space<hbm>> -> memref<1x80x128xi32, #tpu.memory_space<hbm>>
    %dma_start3A_7 = tpu.memref_squeeze %dma_start3A_6 : memref<1x80x128xi32, #tpu.memory_space<hbm>> -> memref<80x128xi32, #tpu.memory_space<hbm>>
    tpu.enqueue_dma source(%dma_start3A_7 : memref<80x128xi32, #tpu.memory_space<hbm>>) target(%arg7 : memref<80x128xi32, #tpu.memory_space<vmem>>) target_semaphore(%arg11 : memref<!tpu.dma_semaphore, #tpu.memory_space<semaphore_mem>>)
    %dma_start3A_8 = arith.constant 0 : i32
    %dma_start3A_9 = arith.constant 0 : i32
    %dma_start3A_10 = tpu.memref_slice %arg4[%add3A, %dma_start3A_8, %dma_start3A_9] : memref<32x80x128xi32, #tpu.memory_space<hbm>> -> memref<1x80x128xi32, #tpu.memory_space<hbm>>
    %dma_start3A_11 = tpu.memref_squeeze %dma_start3A_10 : memref<1x80x128xi32, #tpu.memory_space<hbm>> -> memref<80x128xi32, #tpu.memory_space<hbm>>
    %dma_start3A_12 = arith.constant 0 : i32
    %dma_start3A_13 = arith.constant 0 : i32
    %dma_start3A_14 = tpu.memref_slice %arg4[%add3A, %dma_start3A_12, %dma_start3A_13] : memref<32x80x128xi32, #tpu.memory_space<hbm>> -> memref<1x80x128xi32, #tpu.memory_space<hbm>>
    %dma_start3A_15 = tpu.memref_squeeze %dma_start3A_14 : memref<1x80x128xi32, #tpu.memory_space<hbm>> -> memref<80x128xi32, #tpu.memory_space<hbm>>
    tpu.enqueue_dma source(%dma_start3A_15 : memref<80x128xi32, #tpu.memory_space<hbm>>) target(%arg8 : memref<80x128xi32, #tpu.memory_space<vmem>>) target_semaphore(%arg11 : memref<!tpu.dma_semaphore, #tpu.memory_space<semaphore_mem>>)
    %mul3A_16 = arith.constant 632 : i32
    %mul3A_17 = arith.muli %arg1, %mul3A_16 : i32
    %dma_start3A_18 = arith.constant 0 : i32
    %dma_start3A_19 = tpu.memref_slice %arg10[%mul3A_17, %dma_start3A_18] : memref<10112x128xf32, #tpu.memory_space<vmem_shared>> -> memref<632x128xf32, #tpu.memory_space<vmem_shared>>
    tpu.enqueue_dma source(%arg5 : memref<632x128xf32, #tpu.memory_space<hbm>>) target(%dma_start3A_19 : memref<632x128xf32, #tpu.memory_space<vmem_shared>>) target_semaphore(%arg11 : memref<!tpu.dma_semaphore, #tpu.memory_space<semaphore_mem>>)
    %dma_wait3A = arith.constant 0 : i32
    %dma_wait3A_20 = arith.constant 0 : i32
    %dma_wait3A_21 = tpu.memref_slice %arg3[%add3A, %dma_wait3A, %dma_wait3A_20] : memref<32x80x128xi32, #tpu.memory_space<hbm>> -> memref<1x80x128xi32, #tpu.memory_space<hbm>>
    %dma_wait3A_22 = tpu.memref_squeeze %dma_wait3A_21 : memref<1x80x128xi32, #tpu.memory_space<hbm>> -> memref<80x128xi32, #tpu.memory_space<hbm>>
    %dma_wait3A_23 = arith.constant 0 : i32
    %dma_wait3A_24 = arith.constant 0 : i32
    %dma_wait3A_25 = tpu.memref_slice %arg3[%add3A, %dma_wait3A_23, %dma_wait3A_24] : memref<32x80x128xi32, #tpu.memory_space<hbm>> -> memref<1x80x128xi32, #tpu.memory_space<hbm>>
    %dma_wait3A_26 = tpu.memref_squeeze %dma_wait3A_25 : memref<1x80x128xi32, #tpu.memory_space<hbm>> -> memref<80x128xi32, #tpu.memory_space<hbm>>
    tpu.wait_dma2 semaphore(%arg11 : memref<!tpu.dma_semaphore, #tpu.memory_space<semaphore_mem>>) src(%dma_wait3A_26 : memref<80x128xi32, #tpu.memory_space<hbm>>) dst(%arg7 : memref<80x128xi32, #tpu.memory_space<vmem>>)
    %dma_wait3A_27 = arith.constant 0 : i32
    %dma_wait3A_28 = arith.constant 0 : i32
    %dma_wait3A_29 = tpu.memref_slice %arg4[%add3A, %dma_wait3A_27, %dma_wait3A_28] : memref<32x80x128xi32, #tpu.memory_space<hbm>> -> memref<1x80x128xi32, #tpu.memory_space<hbm>>
    %dma_wait3A_30 = tpu.memref_squeeze %dma_wait3A_29 : memref<1x80x128xi32, #tpu.memory_space<hbm>> -> memref<80x128xi32, #tpu.memory_space<hbm>>
    %dma_wait3A_31 = arith.constant 0 : i32
    %dma_wait3A_32 = arith.constant 0 : i32
    %dma_wait3A_33 = tpu.memref_slice %arg4[%add3A, %dma_wait3A_31, %dma_wait3A_32] : memref<32x80x128xi32, #tpu.memory_space<hbm>> -> memref<1x80x128xi32, #tpu.memory_space<hbm>>
    %dma_wait3A_34 = tpu.memref_squeeze %dma_wait3A_33 : memref<1x80x128xi32, #tpu.memory_space<hbm>> -> memref<80x128xi32, #tpu.memory_space<hbm>>
    tpu.wait_dma2 semaphore(%arg11 : memref<!tpu.dma_semaphore, #tpu.memory_space<semaphore_mem>>) src(%dma_wait3A_34 : memref<80x128xi32, #tpu.memory_space<hbm>>) dst(%arg8 : memref<80x128xi32, #tpu.memory_space<vmem>>)
    %dma_wait3A_35 = arith.constant 0 : i32
    %dma_wait3A_36 = tpu.memref_slice %arg10[%mul3A_17, %dma_wait3A_35] : memref<10112x128xf32, #tpu.memory_space<vmem_shared>> -> memref<632x128xf32, #tpu.memory_space<vmem_shared>>
    tpu.wait_dma2 semaphore(%arg11 : memref<!tpu.dma_semaphore, #tpu.memory_space<semaphore_mem>>) src(%arg5 : memref<632x128xf32, #tpu.memory_space<hbm>>) dst(%dma_wait3A_36 : memref<632x128xf32, #tpu.memory_space<vmem_shared>>)
    %barrier3A = arith.constant 0 : index
    tpu.barrier barrier_id(%barrier3A)
    %scan3A = arith.constant 0 : i32
    %scan3A_37 = arith.constant 0 : i32
    %scan3A_38 = arith.constant 80 : i32
    %scan3A_39 = arith.addi %scan3A_37, %scan3A_38 : i32
    %scan3A_40 = arith.constant 1 : i32
    scf.for %scan3A_49 = %scan3A_37 to %scan3A_39 step %scan3A_40  : i32 {
      %dma_start3A_50 = arith.constant 0 : i32
      %dma_start3A_51 = tpu.memref_slice %arg7[%scan3A_49, %dma_start3A_50] : memref<80x128xi32, #tpu.memory_space<vmem>> -> memref<1x128xi32, #tpu.memory_space<vmem>>
      %dma_start3A_52 = tpu.memref_squeeze %dma_start3A_51 : memref<1x128xi32, #tpu.memory_space<vmem>> -> memref<128xi32, #tpu.memory_space<vmem>>
      %dma_start3A_53 = arith.constant 0 : i32
      %dma_start3A_54 = arith.constant 0 : i32
      %dma_start3A_55 = tpu.memref_slice %arg2[%dma_start3A_53, %dma_start3A_54] : memref<10000x128xf32, #tpu.memory_space<hbm>> -> memref<10000x128xf32, #tpu.memory_space<hbm>>
      tpu.enqueue_indirect_dma source(%dma_start3A_55 : memref<10000x128xf32, #tpu.memory_space<hbm>>) target(%arg9 : memref<128x128xf32, #tpu.memory_space<vmem>>) offsets(%dma_start3A_52 : memref<128xi32, #tpu.memory_space<vmem>>) semaphore(%arg12 : memref<!tpu.dma_semaphore, #tpu.memory_space<semaphore_mem>>)
      %dma_wait3A_56 = arith.constant 0 : i32
      %dma_wait3A_57 = tpu.memref_slice %arg7[%scan3A_49, %dma_wait3A_56] : memref<80x128xi32, #tpu.memory_space<vmem>> -> memref<1x128xi32, #tpu.memory_space<vmem>>
      %dma_wait3A_58 = tpu.memref_squeeze %dma_wait3A_57 : memref<1x128xi32, #tpu.memory_space<vmem>> -> memref<128xi32, #tpu.memory_space<vmem>>
      %dma_wait3A_59 = arith.constant 0 : i32
      %dma_wait3A_60 = arith.constant 0 : i32
      %dma_wait3A_61 = tpu.memref_slice %arg2[%dma_wait3A_59, %dma_wait3A_60] : memref<10000x128xf32, #tpu.memory_space<hbm>> -> memref<10000x128xf32, #tpu.memory_space<hbm>>
      tpu.wait_indirect_dma semaphore(%arg12 : memref<!tpu.dma_semaphore, #tpu.memory_space<semaphore_mem>>) src(%dma_wait3A_61 : memref<10000x128xf32, #tpu.memory_space<hbm>>) dst(%arg9 : memref<128x128xf32, #tpu.memory_space<vmem>>)
      %dma_start3A_62 = arith.constant 0 : i32
      %dma_start3A_63 = tpu.memref_slice %arg8[%scan3A_49, %dma_start3A_62] : memref<80x128xi32, #tpu.memory_space<vmem>> -> memref<1x128xi32, #tpu.memory_space<vmem>>
      %dma_start3A_64 = tpu.memref_squeeze %dma_start3A_63 : memref<1x128xi32, #tpu.memory_space<vmem>> -> memref<128xi32, #tpu.memory_space<vmem>>
      %dma_start3A_65 = arith.constant 0 : i32
      %dma_start3A_66 = arith.constant 0 : i32
      %dma_start3A_67 = tpu.memref_slice %arg10[%dma_start3A_65, %dma_start3A_66] : memref<10112x128xf32, #tpu.memory_space<vmem_shared>> -> memref<10112x128xf32, #tpu.memory_space<vmem_shared>>
      tpu.enqueue_indirect_dma source(%arg9 : memref<128x128xf32, #tpu.memory_space<vmem>>) target(%dma_start3A_67 : memref<10112x128xf32, #tpu.memory_space<vmem_shared>>) offsets(%dma_start3A_64 : memref<128xi32, #tpu.memory_space<vmem>>) semaphore(%arg13 : memref<!tpu.dma_semaphore, #tpu.memory_space<semaphore_mem>>) {add = true}
      %dma_wait3A_68 = arith.constant 0 : i32
      %dma_wait3A_69 = tpu.memref_slice %arg8[%scan3A_49, %dma_wait3A_68] : memref<80x128xi32, #tpu.memory_space<vmem>> -> memref<1x128xi32, #tpu.memory_space<vmem>>
      %dma_wait3A_70 = tpu.memref_squeeze %dma_wait3A_69 : memref<1x128xi32, #tpu.memory_space<vmem>> -> memref<128xi32, #tpu.memory_space<vmem>>
      %dma_wait3A_71 = arith.constant 0 : i32
      %dma_wait3A_72 = arith.constant 0 : i32
      %dma_wait3A_73 = tpu.memref_slice %arg10[%dma_wait3A_71, %dma_wait3A_72] : memref<10112x128xf32, #tpu.memory_space<vmem_shared>> -> memref<10112x128xf32, #tpu.memory_space<vmem_shared>>
      tpu.wait_indirect_dma semaphore(%arg13 : memref<!tpu.dma_semaphore, #tpu.memory_space<semaphore_mem>>) src(%arg9 : memref<128x128xf32, #tpu.memory_space<vmem>>) dst(%dma_wait3A_73 : memref<10112x128xf32, #tpu.memory_space<vmem_shared>>)
    }
    %scan3A_41 = arith.constant 80 : i32
    %barrier3A_42 = arith.constant 0 : index
    tpu.barrier barrier_id(%barrier3A_42)
    %lt3A = arith.constant 15 : i32
    %lt3A_43 = arith.cmpi slt, %arg1, %lt3A : i32
    %convert_element_type3A = arith.extui %lt3A_43 : i1 to i32
    %cond3A = arith.constant 0 : i32
    %cond3A_44 = arith.cmpi ne, %convert_element_type3A, %cond3A : i32
    scf.if %cond3A_44 {
      %mul3A_49 = arith.constant 640 : i32
      %mul3A_50 = arith.muli %arg1, %mul3A_49 : i32
      %mul3A_51 = arith.constant 640 : i32
      %mul3A_52 = arith.muli %arg1, %mul3A_51 : i32
      "tpu.region"() ({
        %run_scoped3A = tpu.sem_alloc : memref<!tpu.dma_semaphore, #tpu.memory_space<semaphore_mem>>
        %dma_start3A_53 = arith.constant 0 : i32
        %dma_start3A_54 = tpu.memref_slice %arg6[%arg0, %mul3A_52, %dma_start3A_53] : memref<2x10000x128xf32, #tpu.memory_space<hbm>> -> memref<1x640x128xf32, #tpu.memory_space<hbm>>
        %dma_start3A_55 = tpu.memref_squeeze %dma_start3A_54 : memref<1x640x128xf32, #tpu.memory_space<hbm>> -> memref<640x128xf32, #tpu.memory_space<hbm>>
        %dma_start3A_56 = arith.constant 0 : i32
        %dma_start3A_57 = tpu.memref_slice %arg10[%mul3A_50, %dma_start3A_56] : memref<10112x128xf32, #tpu.memory_space<vmem_shared>> -> memref<640x128xf32, #tpu.memory_space<vmem_shared>>
        tpu.enqueue_dma source(%dma_start3A_57 : memref<640x128xf32, #tpu.memory_space<vmem_shared>>) target(%dma_start3A_55 : memref<640x128xf32, #tpu.memory_space<hbm>>) target_semaphore(%run_scoped3A : memref<!tpu.dma_semaphore, #tpu.memory_space<semaphore_mem>>)
        %dma_wait3A_58 = arith.constant 0 : i32
        %dma_wait3A_59 = tpu.memref_slice %arg6[%arg0, %mul3A_52, %dma_wait3A_58] : memref<2x10000x128xf32, #tpu.memory_space<hbm>> -> memref<1x640x128xf32, #tpu.memory_space<hbm>>
        %dma_wait3A_60 = tpu.memref_squeeze %dma_wait3A_59 : memref<1x640x128xf32, #tpu.memory_space<hbm>> -> memref<640x128xf32, #tpu.memory_space<hbm>>
        %dma_wait3A_61 = arith.constant 0 : i32
        %dma_wait3A_62 = tpu.memref_slice %arg10[%mul3A_50, %dma_wait3A_61] : memref<10112x128xf32, #tpu.memory_space<vmem_shared>> -> memref<640x128xf32, #tpu.memory_space<vmem_shared>>
        tpu.wait_dma2 semaphore(%run_scoped3A : memref<!tpu.dma_semaphore, #tpu.memory_space<semaphore_mem>>) src(%dma_wait3A_62 : memref<640x128xf32, #tpu.memory_space<vmem_shared>>) dst(%dma_wait3A_60 : memref<640x128xf32, #tpu.memory_space<hbm>>)
        tpu.yield
      }) : () -> ()
    } else {
    }
    %eq3A = arith.constant 15 : i32
    %eq3A_45 = arith.cmpi eq, %arg1, %eq3A : i32
    %convert_element_type3A_46 = arith.extui %eq3A_45 : i1 to i32
    %cond3A_47 = arith.constant 0 : i32
    %cond3A_48 = arith.cmpi ne, %convert_element_type3A_46, %cond3A_47 : i32
    scf.if %cond3A_48 {
      "tpu.region"() ({
        %run_scoped3A = tpu.sem_alloc : memref<!tpu.dma_semaphore, #tpu.memory_space<semaphore_mem>>
        %dma_start3A_49 = arith.constant 9600 : i32
        %dma_start3A_50 = arith.constant 0 : i32
        %dma_start3A_51 = tpu.memref_slice %arg6[%arg0, %dma_start3A_49, %dma_start3A_50] : memref<2x10000x128xf32, #tpu.memory_space<hbm>> -> memref<1x400x128xf32, #tpu.memory_space<hbm>>
        %dma_start3A_52 = tpu.memref_squeeze %dma_start3A_51 : memref<1x400x128xf32, #tpu.memory_space<hbm>> -> memref<400x128xf32, #tpu.memory_space<hbm>>
        %dma_start3A_53 = arith.constant 9600 : i32
        %dma_start3A_54 = arith.constant 0 : i32
        %dma_start3A_55 = tpu.memref_slice %arg10[%dma_start3A_53, %dma_start3A_54] : memref<10112x128xf32, #tpu.memory_space<vmem_shared>> -> memref<400x128xf32, #tpu.memory_space<vmem_shared>>
        tpu.enqueue_dma source(%dma_start3A_55 : memref<400x128xf32, #tpu.memory_space<vmem_shared>>) target(%dma_start3A_52 : memref<400x128xf32, #tpu.memory_space<hbm>>) target_semaphore(%run_scoped3A : memref<!tpu.dma_semaphore, #tpu.memory_space<semaphore_mem>>)
        %dma_wait3A_56 = arith.constant 9600 : i32
        %dma_wait3A_57 = arith.constant 0 : i32
        %dma_wait3A_58 = tpu.memref_slice %arg6[%arg0, %dma_wait3A_56, %dma_wait3A_57] : memref<2x10000x128xf32, #tpu.memory_space<hbm>> -> memref<1x400x128xf32, #tpu.memory_space<hbm>>
        %dma_wait3A_59 = tpu.memref_squeeze %dma_wait3A_58 : memref<1x400x128xf32, #tpu.memory_space<hbm>> -> memref<400x128xf32, #tpu.memory_space<hbm>>
        %dma_wait3A_60 = arith.constant 9600 : i32
        %dma_wait3A_61 = arith.constant 0 : i32
        %dma_wait3A_62 = tpu.memref_slice %arg10[%dma_wait3A_60, %dma_wait3A_61] : memref<10112x128xf32, #tpu.memory_space<vmem_shared>> -> memref<400x128xf32, #tpu.memory_space<vmem_shared>>
        tpu.wait_dma2 semaphore(%run_scoped3A : memref<!tpu.dma_semaphore, #tpu.memory_space<semaphore_mem>>) src(%dma_wait3A_62 : memref<400x128xf32, #tpu.memory_space<vmem_shared>>) dst(%dma_wait3A_59 : memref<400x128xf32, #tpu.memory_space<hbm>>)
        tpu.yield
      }) : () -> ()
    } else {
    }
    return
  }
}

#map = affine_map<(d0, d1) -> (0, 0)>
#map1 = affine_map<(d0, d1) -> (0, 0, 0)>
module attributes {stable_mosaic.version = 14 : i64} {
  func.func @_sc_spmm(%arg0: i32, %arg1: i32, %arg2: memref<10000x128xf32, #tpu.memory_space<hbm>>, %arg3: memref<32x80x128xi32, #tpu.memory_space<hbm>>, %arg4: memref<32x80x128xi32, #tpu.memory_space<hbm>>, %arg5: memref<632x128xf32, #tpu.memory_space<hbm>>, %arg6: memref<2x10000x128xf32, #tpu.memory_space<hbm>>, %arg7: memref<80x128xi32, #tpu.memory_space<vmem>>, %arg8: memref<80x128xi32, #tpu.memory_space<vmem>>, %arg9: memref<128x128xf32, #tpu.memory_space<vmem>>, %arg10: memref<10112x128xf32, #tpu.memory_space<vmem_shared>>, %arg11: memref<!tpu.dma_semaphore, #tpu.memory_space<semaphore_mem>>, %arg12: memref<!tpu.dma_semaphore, #tpu.memory_space<semaphore_mem>>, %arg13: memref<!tpu.dma_semaphore, #tpu.memory_space<semaphore_mem>>) attributes {dimension_semantics = [#tpu.dimension_semantics<core_parallel>, #tpu.dimension_semantics<subcore_parallel>], iteration_bounds = array<i64: 2, 16>, scalar_prefetch = 0 : i64, scratch_operands = 7 : i64, tpu.core_type = #tpu.core_type<sc_vector_subcore>, window_params = [{transform_indices = #map}, {transform_indices = #map1}, {transform_indices = #map1}, {transform_indices = #map}, {transform_indices = #map1}]} {
    %mul3A = arith.constant 16 : i32
    %mul3A_0 = arith.muli %arg0, %mul3A : i32
    %add3A = arith.addi %mul3A_0, %arg1 : i32
    %dma_start3A = arith.constant 0 : i32
    %dma_start3A_1 = arith.constant 0 : i32
    %dma_start3A_2 = tpu.memref_slice %arg3[%add3A, %dma_start3A, %dma_start3A_1] : memref<32x80x128xi32, #tpu.memory_space<hbm>> -> memref<1x80x128xi32, #tpu.memory_space<hbm>>
    %dma_start3A_3 = tpu.memref_squeeze %dma_start3A_2 : memref<1x80x128xi32, #tpu.memory_space<hbm>> -> memref<80x128xi32, #tpu.memory_space<hbm>>
    %dma_start3A_4 = arith.constant 0 : i32
    %dma_start3A_5 = arith.constant 0 : i32
    %dma_start3A_6 = tpu.memref_slice %arg3[%add3A, %dma_start3A_4, %dma_start3A_5] : memref<32x80x128xi32, #tpu.memory_space<hbm>> -> memref<1x80x128xi32, #tpu.memory_space<hbm>>
    %dma_start3A_7 = tpu.memref_squeeze %dma_start3A_6 : memref<1x80x128xi32, #tpu.memory_space<hbm>> -> memref<80x128xi32, #tpu.memory_space<hbm>>
    tpu.enqueue_dma source(%dma_start3A_7 : memref<80x128xi32, #tpu.memory_space<hbm>>) target(%arg7 : memref<80x128xi32, #tpu.memory_space<vmem>>) target_semaphore(%arg11 : memref<!tpu.dma_semaphore, #tpu.memory_space<semaphore_mem>>)
    %dma_start3A_8 = arith.constant 0 : i32
    %dma_start3A_9 = arith.constant 0 : i32
    %dma_start3A_10 = tpu.memref_slice %arg4[%add3A, %dma_start3A_8, %dma_start3A_9] : memref<32x80x128xi32, #tpu.memory_space<hbm>> -> memref<1x80x128xi32, #tpu.memory_space<hbm>>
    %dma_start3A_11 = tpu.memref_squeeze %dma_start3A_10 : memref<1x80x128xi32, #tpu.memory_space<hbm>> -> memref<80x128xi32, #tpu.memory_space<hbm>>
    %dma_start3A_12 = arith.constant 0 : i32
    %dma_start3A_13 = arith.constant 0 : i32
    %dma_start3A_14 = tpu.memref_slice %arg4[%add3A, %dma_start3A_12, %dma_start3A_13] : memref<32x80x128xi32, #tpu.memory_space<hbm>> -> memref<1x80x128xi32, #tpu.memory_space<hbm>>
    %dma_start3A_15 = tpu.memref_squeeze %dma_start3A_14 : memref<1x80x128xi32, #tpu.memory_space<hbm>> -> memref<80x128xi32, #tpu.memory_space<hbm>>
    tpu.enqueue_dma source(%dma_start3A_15 : memref<80x128xi32, #tpu.memory_space<hbm>>) target(%arg8 : memref<80x128xi32, #tpu.memory_space<vmem>>) target_semaphore(%arg11 : memref<!tpu.dma_semaphore, #tpu.memory_space<semaphore_mem>>)
    %mul3A_16 = arith.constant 632 : i32
    %mul3A_17 = arith.muli %arg1, %mul3A_16 : i32
    %dma_start3A_18 = arith.constant 0 : i32
    %dma_start3A_19 = tpu.memref_slice %arg10[%mul3A_17, %dma_start3A_18] : memref<10112x128xf32, #tpu.memory_space<vmem_shared>> -> memref<632x128xf32, #tpu.memory_space<vmem_shared>>
    tpu.enqueue_dma source(%arg5 : memref<632x128xf32, #tpu.memory_space<hbm>>) target(%dma_start3A_19 : memref<632x128xf32, #tpu.memory_space<vmem_shared>>) target_semaphore(%arg11 : memref<!tpu.dma_semaphore, #tpu.memory_space<semaphore_mem>>)
    %dma_wait3A = arith.constant 0 : i32
    %dma_wait3A_20 = arith.constant 0 : i32
    %dma_wait3A_21 = tpu.memref_slice %arg3[%add3A, %dma_wait3A, %dma_wait3A_20] : memref<32x80x128xi32, #tpu.memory_space<hbm>> -> memref<1x80x128xi32, #tpu.memory_space<hbm>>
    %dma_wait3A_22 = tpu.memref_squeeze %dma_wait3A_21 : memref<1x80x128xi32, #tpu.memory_space<hbm>> -> memref<80x128xi32, #tpu.memory_space<hbm>>
    %dma_wait3A_23 = arith.constant 0 : i32
    %dma_wait3A_24 = arith.constant 0 : i32
    %dma_wait3A_25 = tpu.memref_slice %arg3[%add3A, %dma_wait3A_23, %dma_wait3A_24] : memref<32x80x128xi32, #tpu.memory_space<hbm>> -> memref<1x80x128xi32, #tpu.memory_space<hbm>>
    %dma_wait3A_26 = tpu.memref_squeeze %dma_wait3A_25 : memref<1x80x128xi32, #tpu.memory_space<hbm>> -> memref<80x128xi32, #tpu.memory_space<hbm>>
    tpu.wait_dma2 semaphore(%arg11 : memref<!tpu.dma_semaphore, #tpu.memory_space<semaphore_mem>>) src(%dma_wait3A_26 : memref<80x128xi32, #tpu.memory_space<hbm>>) dst(%arg7 : memref<80x128xi32, #tpu.memory_space<vmem>>)
    %dma_wait3A_27 = arith.constant 0 : i32
    %dma_wait3A_28 = arith.constant 0 : i32
    %dma_wait3A_29 = tpu.memref_slice %arg4[%add3A, %dma_wait3A_27, %dma_wait3A_28] : memref<32x80x128xi32, #tpu.memory_space<hbm>> -> memref<1x80x128xi32, #tpu.memory_space<hbm>>
    %dma_wait3A_30 = tpu.memref_squeeze %dma_wait3A_29 : memref<1x80x128xi32, #tpu.memory_space<hbm>> -> memref<80x128xi32, #tpu.memory_space<hbm>>
    %dma_wait3A_31 = arith.constant 0 : i32
    %dma_wait3A_32 = arith.constant 0 : i32
    %dma_wait3A_33 = tpu.memref_slice %arg4[%add3A, %dma_wait3A_31, %dma_wait3A_32] : memref<32x80x128xi32, #tpu.memory_space<hbm>> -> memref<1x80x128xi32, #tpu.memory_space<hbm>>
    %dma_wait3A_34 = tpu.memref_squeeze %dma_wait3A_33 : memref<1x80x128xi32, #tpu.memory_space<hbm>> -> memref<80x128xi32, #tpu.memory_space<hbm>>
    tpu.wait_dma2 semaphore(%arg11 : memref<!tpu.dma_semaphore, #tpu.memory_space<semaphore_mem>>) src(%dma_wait3A_34 : memref<80x128xi32, #tpu.memory_space<hbm>>) dst(%arg8 : memref<80x128xi32, #tpu.memory_space<vmem>>)
    %dma_wait3A_35 = arith.constant 0 : i32
    %dma_wait3A_36 = tpu.memref_slice %arg10[%mul3A_17, %dma_wait3A_35] : memref<10112x128xf32, #tpu.memory_space<vmem_shared>> -> memref<632x128xf32, #tpu.memory_space<vmem_shared>>
    tpu.wait_dma2 semaphore(%arg11 : memref<!tpu.dma_semaphore, #tpu.memory_space<semaphore_mem>>) src(%arg5 : memref<632x128xf32, #tpu.memory_space<hbm>>) dst(%dma_wait3A_36 : memref<632x128xf32, #tpu.memory_space<vmem_shared>>)
    %barrier3A = arith.constant 0 : index
    tpu.barrier barrier_id(%barrier3A)
    %scan3A = arith.constant 0 : i32
    %scan3A_37 = arith.constant 0 : i32
    %scan3A_38 = arith.constant 80 : i32
    %scan3A_39 = arith.addi %scan3A_37, %scan3A_38 : i32
    %scan3A_40 = arith.constant 1 : i32
    scf.for %scan3A_49 = %scan3A_37 to %scan3A_39 step %scan3A_40  : i32 {
      %dma_start3A_50 = arith.constant 0 : i32
      %dma_start3A_51 = tpu.memref_slice %arg7[%scan3A_49, %dma_start3A_50] : memref<80x128xi32, #tpu.memory_space<vmem>> -> memref<1x128xi32, #tpu.memory_space<vmem>>
      %dma_start3A_52 = tpu.memref_squeeze %dma_start3A_51 : memref<1x128xi32, #tpu.memory_space<vmem>> -> memref<128xi32, #tpu.memory_space<vmem>>
      %dma_start3A_53 = arith.constant 0 : i32
      %dma_start3A_54 = arith.constant 0 : i32
      %dma_start3A_55 = tpu.memref_slice %arg2[%dma_start3A_53, %dma_start3A_54] : memref<10000x128xf32, #tpu.memory_space<hbm>> -> memref<10000x128xf32, #tpu.memory_space<hbm>>
      tpu.enqueue_indirect_dma source(%dma_start3A_55 : memref<10000x128xf32, #tpu.memory_space<hbm>>) target(%arg9 : memref<128x128xf32, #tpu.memory_space<vmem>>) offsets(%dma_start3A_52 : memref<128xi32, #tpu.memory_space<vmem>>) semaphore(%arg12 : memref<!tpu.dma_semaphore, #tpu.memory_space<semaphore_mem>>)
      %dma_wait3A_56 = arith.constant 0 : i32
      %dma_wait3A_57 = tpu.memref_slice %arg7[%scan3A_49, %dma_wait3A_56] : memref<80x128xi32, #tpu.memory_space<vmem>> -> memref<1x128xi32, #tpu.memory_space<vmem>>
      %dma_wait3A_58 = tpu.memref_squeeze %dma_wait3A_57 : memref<1x128xi32, #tpu.memory_space<vmem>> -> memref<128xi32, #tpu.memory_space<vmem>>
      %dma_wait3A_59 = arith.constant 0 : i32
      %dma_wait3A_60 = arith.constant 0 : i32
      %dma_wait3A_61 = tpu.memref_slice %arg2[%dma_wait3A_59, %dma_wait3A_60] : memref<10000x128xf32, #tpu.memory_space<hbm>> -> memref<10000x128xf32, #tpu.memory_space<hbm>>
      tpu.wait_indirect_dma semaphore(%arg12 : memref<!tpu.dma_semaphore, #tpu.memory_space<semaphore_mem>>) src(%dma_wait3A_61 : memref<10000x128xf32, #tpu.memory_space<hbm>>) dst(%arg9 : memref<128x128xf32, #tpu.memory_space<vmem>>)
      %dma_start3A_62 = arith.constant 0 : i32
      %dma_start3A_63 = tpu.memref_slice %arg8[%scan3A_49, %dma_start3A_62] : memref<80x128xi32, #tpu.memory_space<vmem>> -> memref<1x128xi32, #tpu.memory_space<vmem>>
      %dma_start3A_64 = tpu.memref_squeeze %dma_start3A_63 : memref<1x128xi32, #tpu.memory_space<vmem>> -> memref<128xi32, #tpu.memory_space<vmem>>
      %dma_start3A_65 = arith.constant 0 : i32
      %dma_start3A_66 = arith.constant 0 : i32
      %dma_start3A_67 = tpu.memref_slice %arg10[%dma_start3A_65, %dma_start3A_66] : memref<10112x128xf32, #tpu.memory_space<vmem_shared>> -> memref<10112x128xf32, #tpu.memory_space<vmem_shared>>
      tpu.enqueue_indirect_dma source(%arg9 : memref<128x128xf32, #tpu.memory_space<vmem>>) target(%dma_start3A_67 : memref<10112x128xf32, #tpu.memory_space<vmem_shared>>) offsets(%dma_start3A_64 : memref<128xi32, #tpu.memory_space<vmem>>) semaphore(%arg13 : memref<!tpu.dma_semaphore, #tpu.memory_space<semaphore_mem>>) {add = true}
      %dma_wait3A_68 = arith.constant 0 : i32
      %dma_wait3A_69 = tpu.memref_slice %arg8[%scan3A_49, %dma_wait3A_68] : memref<80x128xi32, #tpu.memory_space<vmem>> -> memref<1x128xi32, #tpu.memory_space<vmem>>
      %dma_wait3A_70 = tpu.memref_squeeze %dma_wait3A_69 : memref<1x128xi32, #tpu.memory_space<vmem>> -> memref<128xi32, #tpu.memory_space<vmem>>
      %dma_wait3A_71 = arith.constant 0 : i32
      %dma_wait3A_72 = arith.constant 0 : i32
      %dma_wait3A_73 = tpu.memref_slice %arg10[%dma_wait3A_71, %dma_wait3A_72] : memref<10112x128xf32, #tpu.memory_space<vmem_shared>> -> memref<10112x128xf32, #tpu.memory_space<vmem_shared>>
      tpu.wait_indirect_dma semaphore(%arg13 : memref<!tpu.dma_semaphore, #tpu.memory_space<semaphore_mem>>) src(%arg9 : memref<128x128xf32, #tpu.memory_space<vmem>>) dst(%dma_wait3A_73 : memref<10112x128xf32, #tpu.memory_space<vmem_shared>>)
    }
    %scan3A_41 = arith.constant 80 : i32
    %barrier3A_42 = arith.constant 0 : index
    tpu.barrier barrier_id(%barrier3A_42)
    %lt3A = arith.constant 15 : i32
    %lt3A_43 = arith.cmpi slt, %arg1, %lt3A : i32
    %convert_element_type3A = arith.extui %lt3A_43 : i1 to i32
    %cond3A = arith.constant 0 : i32
    %cond3A_44 = arith.cmpi ne, %convert_element_type3A, %cond3A : i32
    scf.if %cond3A_44 {
      %mul3A_49 = arith.constant 640 : i32
      %mul3A_50 = arith.muli %arg1, %mul3A_49 : i32
      %mul3A_51 = arith.constant 640 : i32
      %mul3A_52 = arith.muli %arg1, %mul3A_51 : i32
      "tpu.region"() ({
        %run_scoped3A = tpu.sem_alloc : memref<!tpu.dma_semaphore, #tpu.memory_space<semaphore_mem>>
        %dma_start3A_53 = arith.constant 0 : i32
        %dma_start3A_54 = tpu.memref_slice %arg6[%arg0, %mul3A_52, %dma_start3A_53] : memref<2x10000x128xf32, #tpu.memory_space<hbm>> -> memref<1x640x128xf32, #tpu.memory_space<hbm>>
        %dma_start3A_55 = tpu.memref_squeeze %dma_start3A_54 : memref<1x640x128xf32, #tpu.memory_space<hbm>> -> memref<640x128xf32, #tpu.memory_space<hbm>>
        %dma_start3A_56 = arith.constant 0 : i32
        %dma_start3A_57 = tpu.memref_slice %arg10[%mul3A_50, %dma_start3A_56] : memref<10112x128xf32, #tpu.memory_space<vmem_shared>> -> memref<640x128xf32, #tpu.memory_space<vmem_shared>>
        tpu.enqueue_dma source(%dma_start3A_57 : memref<640x128xf32, #tpu.memory_space<vmem_shared>>) target(%dma_start3A_55 : memref<640x128xf32, #tpu.memory_space<hbm>>) target_semaphore(%run_scoped3A : memref<!tpu.dma_semaphore, #tpu.memory_space<semaphore_mem>>)
        %dma_wait3A_58 = arith.constant 0 : i32
        %dma_wait3A_59 = tpu.memref_slice %arg6[%arg0, %mul3A_52, %dma_wait3A_58] : memref<2x10000x128xf32, #tpu.memory_space<hbm>> -> memref<1x640x128xf32, #tpu.memory_space<hbm>>
        %dma_wait3A_60 = tpu.memref_squeeze %dma_wait3A_59 : memref<1x640x128xf32, #tpu.memory_space<hbm>> -> memref<640x128xf32, #tpu.memory_space<hbm>>
        %dma_wait3A_61 = arith.constant 0 : i32
        %dma_wait3A_62 = tpu.memref_slice %arg10[%mul3A_50, %dma_wait3A_61] : memref<10112x128xf32, #tpu.memory_space<vmem_shared>> -> memref<640x128xf32, #tpu.memory_space<vmem_shared>>
        tpu.wait_dma2 semaphore(%run_scoped3A : memref<!tpu.dma_semaphore, #tpu.memory_space<semaphore_mem>>) src(%dma_wait3A_62 : memref<640x128xf32, #tpu.memory_space<vmem_shared>>) dst(%dma_wait3A_60 : memref<640x128xf32, #tpu.memory_space<hbm>>)
        tpu.yield
      }) : () -> ()
    } else {
    }
    %eq3A = arith.constant 15 : i32
    %eq3A_45 = arith.cmpi eq, %arg1, %eq3A : i32
    %convert_element_type3A_46 = arith.extui %eq3A_45 : i1 to i32
    %cond3A_47 = arith.constant 0 : i32
    %cond3A_48 = arith.cmpi ne, %convert_element_type3A_46, %cond3A_47 : i32
    scf.if %cond3A_48 {
      "tpu.region"() ({
        %run_scoped3A = tpu.sem_alloc : memref<!tpu.dma_semaphore, #tpu.memory_space<semaphore_mem>>
        %dma_start3A_49 = arith.constant 9600 : i32
        %dma_start3A_50 = arith.constant 0 : i32
        %dma_start3A_51 = tpu.memref_slice %arg6[%arg0, %dma_start3A_49, %dma_start3A_50] : memref<2x10000x128xf32, #tpu.memory_space<hbm>> -> memref<1x400x128xf32, #tpu.memory_space<hbm>>
        %dma_start3A_52 = tpu.memref_squeeze %dma_start3A_51 : memref<1x400x128xf32, #tpu.memory_space<hbm>> -> memref<400x128xf32, #tpu.memory_space<hbm>>
        %dma_start3A_53 = arith.constant 9600 : i32
        %dma_start3A_54 = arith.constant 0 : i32
        %dma_start3A_55 = tpu.memref_slice %arg10[%dma_start3A_53, %dma_start3A_54] : memref<10112x128xf32, #tpu.memory_space<vmem_shared>> -> memref<400x128xf32, #tpu.memory_space<vmem_shared>>
        tpu.enqueue_dma source(%dma_start3A_55 : memref<400x128xf32, #tpu.memory_space<vmem_shared>>) target(%dma_start3A_52 : memref<400x128xf32, #tpu.memory_space<hbm>>) target_semaphore(%run_scoped3A : memref<!tpu.dma_semaphore, #tpu.memory_space<semaphore_mem>>)
        %dma_wait3A_56 = arith.constant 9600 : i32
        %dma_wait3A_57 = arith.constant 0 : i32
        %dma_wait3A_58 = tpu.memref_slice %arg6[%arg0, %dma_wait3A_56, %dma_wait3A_57] : memref<2x10000x128xf32, #tpu.memory_space<hbm>> -> memref<1x400x128xf32, #tpu.memory_space<hbm>>
        %dma_wait3A_59 = tpu.memref_squeeze %dma_wait3A_58 : memref<1x400x128xf32, #tpu.memory_space<hbm>> -> memref<400x128xf32, #tpu.memory_space<hbm>>
        %dma_wait3A_60 = arith.constant 9600 : i32
        %dma_wait3A_61 = arith.constant 0 : i32
        %dma_wait3A_62 = tpu.memref_slice %arg10[%dma_wait3A_60, %dma_wait3A_61] : memref<10112x128xf32, #tpu.memory_space<vmem_shared>> -> memref<400x128xf32, #tpu.memory_space<vmem_shared>>
        tpu.wait_dma2 semaphore(%run_scoped3A : memref<!tpu.dma_semaphore, #tpu.memory_space<semaphore_mem>>) src(%dma_wait3A_62 : memref<400x128xf32, #tpu.memory_space<vmem_shared>>) dst(%dma_wait3A_59 : memref<400x128xf32, #tpu.memory_space<hbm>>)
        tpu.yield
      }) : () -> ()
    } else {
    }
    return
  }
}

module attributes {stable_mosaic.version = 14 : i64} {
  func.func @_t1_body(%arg0: i32, %arg1: memref<2000x128xf32, #tpu.memory_space<vmem>>, %arg2: memref<2x2000x128xf32, #tpu.memory_space<vmem>>, %arg3: memref<2x2000x128xf32, #tpu.memory_space<vmem>>, %arg4: memref<128x256xf32, #tpu.memory_space<vmem>>, %arg5: memref<128x256xf32, #tpu.memory_space<vmem>>, %arg6: memref<128x256xf32, #tpu.memory_space<vmem>>, %arg7: memref<1x256xf32, #tpu.memory_space<vmem>>, %arg8: memref<2000x256xf32, #tpu.memory_space<vmem>>) attributes {dimension_semantics = [#tpu.dimension_semantics<arbitrary>], iteration_bounds = array<i64: 5>, scalar_prefetch = 0 : i64, scratch_operands = 0 : i64, tpu.core_type = #tpu.core_type<tc>, window_params = [{transform_indices = @transform_0, window_bounds = array<i64: 2000, 128>}, {transform_indices = @transform_1, window_bounds = array<i64: 2, 2000, 128>}, {transform_indices = @transform_2, window_bounds = array<i64: 2, 2000, 128>}, {pipeline_mode = #tpu.pipeline_mode<synchronous>, transform_indices = @transform_3, window_bounds = array<i64: 128, 256>}, {pipeline_mode = #tpu.pipeline_mode<synchronous>, transform_indices = @transform_4, window_bounds = array<i64: 128, 256>}, {pipeline_mode = #tpu.pipeline_mode<synchronous>, transform_indices = @transform_5, window_bounds = array<i64: 128, 256>}, {pipeline_mode = #tpu.pipeline_mode<synchronous>, transform_indices = @transform_6, window_bounds = array<i64: 1, 256>}, {transform_indices = @transform_7, window_bounds = array<i64: 2000, 256>}]} {
    %get3A = arith.constant 0 : index
    %get3A_0 = arith.constant 0 : index
    %get3A_1 = arith.constant 0 : index
    %get3A_2 = vector.load %arg2[%get3A, %get3A_0, %get3A_1] : memref<2x2000x128xf32, #tpu.memory_space<vmem>>, vector<1x2000x128xf32>
    %get3A_3 = vector.shape_cast %get3A_2 : vector<1x2000x128xf32> to vector<2000x128xf32>
    %get3A_4 = arith.constant 1 : index
    %get3A_5 = arith.constant 0 : index
    %get3A_6 = arith.constant 0 : index
    %get3A_7 = vector.load %arg2[%get3A_4, %get3A_5, %get3A_6] : memref<2x2000x128xf32, #tpu.memory_space<vmem>>, vector<1x2000x128xf32>
    %get3A_8 = vector.shape_cast %get3A_7 : vector<1x2000x128xf32> to vector<2000x128xf32>
    %add3A = arith.addf %get3A_3, %get3A_8 : vector<2000x128xf32>
    %get3A_9 = arith.constant 0 : index
    %get3A_10 = arith.constant 0 : index
    %get3A_11 = arith.constant 0 : index
    %get3A_12 = vector.load %arg3[%get3A_9, %get3A_10, %get3A_11] : memref<2x2000x128xf32, #tpu.memory_space<vmem>>, vector<1x2000x128xf32>
    %get3A_13 = vector.shape_cast %get3A_12 : vector<1x2000x128xf32> to vector<2000x128xf32>
    %get3A_14 = arith.constant 1 : index
    %get3A_15 = arith.constant 0 : index
    %get3A_16 = arith.constant 0 : index
    %get3A_17 = vector.load %arg3[%get3A_14, %get3A_15, %get3A_16] : memref<2x2000x128xf32, #tpu.memory_space<vmem>>, vector<1x2000x128xf32>
    %get3A_18 = vector.shape_cast %get3A_17 : vector<1x2000x128xf32> to vector<2000x128xf32>
    %add3A_19 = arith.addf %get3A_13, %get3A_18 : vector<2000x128xf32>
    %get3A_20 = arith.constant 0 : index
    %get3A_21 = arith.constant 0 : index
    %get3A_22 = vector.load %arg1[%get3A_20, %get3A_21] : memref<2000x128xf32, #tpu.memory_space<vmem>>, vector<2000x128xf32>
    %get3A_23 = arith.constant 0 : index
    %get3A_24 = arith.constant 0 : index
    %get3A_25 = vector.load %arg4[%get3A_23, %get3A_24] : memref<128x256xf32, #tpu.memory_space<vmem>>, vector<128x256xf32>
    %dot_general3A = arith.constant dense<0.000000e+00> : vector<2000x256xf32>
    %dot_general3A_26 = tpu.matmul %get3A_22, %get3A_25, %dot_general3A {dimension_numbers = #tpu.dot_dimension_numbers<[1], [0], [0], [1], [0, 0, 1, 1], [], []>, transpose_lhs_hint = false} : vector<2000x128xf32>, vector<128x256xf32>, vector<2000x256xf32> -> vector<2000x256xf32>
    %get3A_27 = arith.constant 0 : index
    %get3A_28 = arith.constant 0 : index
    %get3A_29 = vector.load %arg5[%get3A_27, %get3A_28] : memref<128x256xf32, #tpu.memory_space<vmem>>, vector<128x256xf32>
    %dot_general3A_30 = arith.constant dense<0.000000e+00> : vector<2000x256xf32>
    %dot_general3A_31 = tpu.matmul %add3A, %get3A_29, %dot_general3A_30 {dimension_numbers = #tpu.dot_dimension_numbers<[1], [0], [0], [1], [0, 0, 1, 1], [], []>, transpose_lhs_hint = false} : vector<2000x128xf32>, vector<128x256xf32>, vector<2000x256xf32> -> vector<2000x256xf32>
    %add3A_32 = arith.addf %dot_general3A_26, %dot_general3A_31 : vector<2000x256xf32>
    %get3A_33 = arith.constant 0 : index
    %get3A_34 = arith.constant 0 : index
    %get3A_35 = vector.load %arg6[%get3A_33, %get3A_34] : memref<128x256xf32, #tpu.memory_space<vmem>>, vector<128x256xf32>
    %dot_general3A_36 = arith.constant dense<0.000000e+00> : vector<2000x256xf32>
    %dot_general3A_37 = tpu.matmul %add3A_19, %get3A_35, %dot_general3A_36 {dimension_numbers = #tpu.dot_dimension_numbers<[1], [0], [0], [1], [0, 0, 1, 1], [], []>, transpose_lhs_hint = false} : vector<2000x128xf32>, vector<128x256xf32>, vector<2000x256xf32> -> vector<2000x256xf32>
    %add3A_38 = arith.addf %add3A_32, %dot_general3A_37 : vector<2000x256xf32>
    %get3A_39 = arith.constant 0 : index
    %get3A_40 = arith.constant 0 : index
    %get3A_41 = vector.load %arg7[%get3A_39, %get3A_40] : memref<1x256xf32, #tpu.memory_space<vmem>>, vector<1x256xf32>
    %add3A_42 = vector.broadcast %get3A_41 : vector<1x256xf32> to vector<2000x256xf32>
    %add3A_43 = arith.addf %add3A_38, %add3A_42 : vector<2000x256xf32>
    %swap3A = arith.constant 0 : index
    %swap3A_44 = arith.constant 0 : index
    %swap3A_45 = vector.load %arg8[%swap3A, %swap3A_44] : memref<2000x256xf32, #tpu.memory_space<vmem>>, vector<2000x256xf32>
    tpu.vector_store %arg8[%swap3A, %swap3A_44], %add3A_43 {strides = array<i32>} : memref<2000x256xf32, #tpu.memory_space<vmem>>, vector<2000x256xf32>,
    return
  }
  func.func @transform_0(%arg0: i32) -> (i32, i32) {
    %c0_i32 = arith.constant 0 : i32
    %c0_i32_0 = arith.constant 0 : i32
    return %arg0, %c0_i32 : i32, i32
  }
  func.func @transform_1(%arg0: i32) -> (i32, i32, i32) {
    %c0_i32 = arith.constant 0 : i32
    %c0_i32_0 = arith.constant 0 : i32
    %c0_i32_1 = arith.constant 0 : i32
    return %c0_i32, %arg0, %c0_i32_0 : i32, i32, i32
  }
  func.func @transform_2(%arg0: i32) -> (i32, i32, i32) {
    %c0_i32 = arith.constant 0 : i32
    %c0_i32_0 = arith.constant 0 : i32
    %c0_i32_1 = arith.constant 0 : i32
    return %c0_i32, %arg0, %c0_i32_0 : i32, i32, i32
  }
  func.func @transform_3(%arg0: i32) -> (i32, i32) {
    %c0_i32 = arith.constant 0 : i32
    %c0_i32_0 = arith.constant 0 : i32
    %c0_i32_1 = arith.constant 0 : i32
    return %c0_i32, %c0_i32_0 : i32, i32
  }
  func.func @transform_4(%arg0: i32) -> (i32, i32) {
    %c0_i32 = arith.constant 0 : i32
    %c0_i32_0 = arith.constant 0 : i32
    %c0_i32_1 = arith.constant 0 : i32
    return %c0_i32, %c0_i32_0 : i32, i32
  }
  func.func @transform_5(%arg0: i32) -> (i32, i32) {
    %c0_i32 = arith.constant 0 : i32
    %c0_i32_0 = arith.constant 0 : i32
    %c0_i32_1 = arith.constant 0 : i32
    return %c0_i32, %c0_i32_0 : i32, i32
  }
  func.func @transform_6(%arg0: i32) -> (i32, i32) {
    %c0_i32 = arith.constant 0 : i32
    %c0_i32_0 = arith.constant 0 : i32
    %c0_i32_1 = arith.constant 0 : i32
    return %c0_i32, %c0_i32_0 : i32, i32
  }
  func.func @transform_7(%arg0: i32) -> (i32, i32) {
    %c0_i32 = arith.constant 0 : i32
    %c0_i32_0 = arith.constant 0 : i32
    return %arg0, %c0_i32 : i32, i32
  }
}

module attributes {stable_mosaic.version = 14 : i64} {
  func.func @_t2_body(%arg0: i32, %arg1: memref<2000x128xf32, #tpu.memory_space<vmem>>, %arg2: memref<2x2000x128xf32, #tpu.memory_space<vmem>>, %arg3: memref<2000x256xf32, #tpu.memory_space<vmem>>, %arg4: memref<128x256xf32, #tpu.memory_space<vmem>>, %arg5: memref<128x256xf32, #tpu.memory_space<vmem>>, %arg6: memref<256x128xf32, #tpu.memory_space<vmem>>, %arg7: memref<1x128xf32, #tpu.memory_space<vmem>>, %arg8: memref<2000x128xf32, #tpu.memory_space<vmem>>, %arg9: memref<1x1xi32, #tpu.memory_space<smem>>) attributes {dimension_semantics = [#tpu.dimension_semantics<arbitrary>], iteration_bounds = array<i64: 5>, scalar_prefetch = 0 : i64, scratch_operands = 0 : i64, tpu.core_type = #tpu.core_type<tc>, window_params = [{transform_indices = @transform_0, window_bounds = array<i64: 2000, 128>}, {transform_indices = @transform_1, window_bounds = array<i64: 2, 2000, 128>}, {transform_indices = @transform_2, window_bounds = array<i64: 2000, 256>}, {pipeline_mode = #tpu.pipeline_mode<synchronous>, transform_indices = @transform_3, window_bounds = array<i64: 128, 256>}, {pipeline_mode = #tpu.pipeline_mode<synchronous>, transform_indices = @transform_4, window_bounds = array<i64: 128, 256>}, {pipeline_mode = #tpu.pipeline_mode<synchronous>, transform_indices = @transform_5, window_bounds = array<i64: 256, 128>}, {pipeline_mode = #tpu.pipeline_mode<synchronous>, transform_indices = @transform_6, window_bounds = array<i64: 1, 128>}, {transform_indices = @transform_7, window_bounds = array<i64: 2000, 128>}, {transform_indices = @transform_8, window_bounds = array<i64: 1, 1>}]} {
    %get3A = arith.constant 0 : index
    %get3A_0 = arith.constant 0 : index
    %get3A_1 = vector.load %arg1[%get3A, %get3A_0] : memref<2000x128xf32, #tpu.memory_space<vmem>>, vector<2000x128xf32>
    %get3A_2 = arith.constant 0 : index
    %get3A_3 = arith.constant 0 : index
    %get3A_4 = arith.constant 0 : index
    %get3A_5 = vector.load %arg2[%get3A_2, %get3A_3, %get3A_4] : memref<2x2000x128xf32, #tpu.memory_space<vmem>>, vector<1x2000x128xf32>
    %get3A_6 = vector.shape_cast %get3A_5 : vector<1x2000x128xf32> to vector<2000x128xf32>
    %get3A_7 = arith.constant 1 : index
    %get3A_8 = arith.constant 0 : index
    %get3A_9 = arith.constant 0 : index
    %get3A_10 = vector.load %arg2[%get3A_7, %get3A_8, %get3A_9] : memref<2x2000x128xf32, #tpu.memory_space<vmem>>, vector<1x2000x128xf32>
    %get3A_11 = vector.shape_cast %get3A_10 : vector<1x2000x128xf32> to vector<2000x128xf32>
    %add3A = arith.addf %get3A_6, %get3A_11 : vector<2000x128xf32>
    %get3A_12 = arith.constant 0 : index
    %get3A_13 = arith.constant 0 : index
    %get3A_14 = vector.load %arg4[%get3A_12, %get3A_13] : memref<128x256xf32, #tpu.memory_space<vmem>>, vector<128x256xf32>
    %dot_general3A = arith.constant dense<0.000000e+00> : vector<2000x256xf32>
    %dot_general3A_15 = tpu.matmul %get3A_1, %get3A_14, %dot_general3A {dimension_numbers = #tpu.dot_dimension_numbers<[1], [0], [0], [1], [0, 0, 1, 1], [], []>, transpose_lhs_hint = false} : vector<2000x128xf32>, vector<128x256xf32>, vector<2000x256xf32> -> vector<2000x256xf32>
    %get3A_16 = arith.constant 0 : index
    %get3A_17 = arith.constant 0 : index
    %get3A_18 = vector.load %arg5[%get3A_16, %get3A_17] : memref<128x256xf32, #tpu.memory_space<vmem>>, vector<128x256xf32>
    %dot_general3A_19 = arith.constant dense<0.000000e+00> : vector<2000x256xf32>
    %dot_general3A_20 = tpu.matmul %add3A, %get3A_18, %dot_general3A_19 {dimension_numbers = #tpu.dot_dimension_numbers<[1], [0], [0], [1], [0, 0, 1, 1], [], []>, transpose_lhs_hint = false} : vector<2000x128xf32>, vector<128x256xf32>, vector<2000x256xf32> -> vector<2000x256xf32>
    %add3A_21 = arith.addf %dot_general3A_15, %dot_general3A_20 : vector<2000x256xf32>
    %get3A_22 = arith.constant 0 : index
    %get3A_23 = arith.constant 0 : index
    %get3A_24 = vector.load %arg3[%get3A_22, %get3A_23] : memref<2000x256xf32, #tpu.memory_space<vmem>>, vector<2000x256xf32>
    %add3A_25 = arith.addf %add3A_21, %get3A_24 : vector<2000x256xf32>
    %max3A = arith.constant 0.000000e+00 : f32
    %max3A_26 = vector.broadcast %max3A : f32 to vector<2000x256xf32>
    %max3A_27 = arith.maximumf %add3A_25, %max3A_26 : vector<2000x256xf32>
    %get3A_28 = arith.constant 0 : index
    %get3A_29 = arith.constant 0 : index
    %get3A_30 = vector.load %arg6[%get3A_28, %get3A_29] : memref<256x128xf32, #tpu.memory_space<vmem>>, vector<256x128xf32>
    %dot_general3A_31 = arith.constant dense<0.000000e+00> : vector<2000x128xf32>
    %dot_general3A_32 = tpu.matmul %max3A_27, %get3A_30, %dot_general3A_31 {dimension_numbers = #tpu.dot_dimension_numbers<[1], [0], [0], [1], [0, 0, 1, 1], [], []>, transpose_lhs_hint = false} : vector<2000x256xf32>, vector<256x128xf32>, vector<2000x128xf32> -> vector<2000x128xf32>
    %get3A_33 = arith.constant 0 : index
    %get3A_34 = arith.constant 0 : index
    %get3A_35 = vector.load %arg7[%get3A_33, %get3A_34] : memref<1x128xf32, #tpu.memory_space<vmem>>, vector<1x128xf32>
    %add3A_36 = vector.broadcast %get3A_35 : vector<1x128xf32> to vector<2000x128xf32>
    %add3A_37 = arith.addf %dot_general3A_32, %add3A_36 : vector<2000x128xf32>
    %tanh3A = math.tanh %add3A_37 : vector<2000x128xf32>
    %swap3A = arith.constant 0 : index
    %swap3A_38 = arith.constant 0 : index
    %swap3A_39 = vector.load %arg8[%swap3A, %swap3A_38] : memref<2000x128xf32, #tpu.memory_space<vmem>>, vector<2000x128xf32>
    tpu.vector_store %arg8[%swap3A, %swap3A_38], %tanh3A {strides = array<i32>} : memref<2000x128xf32, #tpu.memory_space<vmem>>, vector<2000x128xf32>,
    %sub3A = arith.subf %tanh3A, %get3A_1 : vector<2000x128xf32>
    %mul3A = arith.mulf %sub3A, %sub3A : vector<2000x128xf32>
    %reduce_sum3A = arith.constant dense<0.000000e+00> : vector<2000xf32>
    %reduce_sum3A_40 = vector.multi_reduction <add>, %mul3A, %reduce_sum3A [1] : vector<2000x128xf32> to vector<2000xf32>
    %sqrt3A = math.sqrt %reduce_sum3A_40 : vector<2000xf32>
    %mul3A_41 = arith.mulf %get3A_1, %get3A_1 : vector<2000x128xf32>
    %reduce_sum3A_42 = arith.constant dense<0.000000e+00> : vector<2000xf32>
    %reduce_sum3A_43 = vector.multi_reduction <add>, %mul3A_41, %reduce_sum3A_42 [1] : vector<2000x128xf32> to vector<2000xf32>
    %sqrt3A_44 = math.sqrt %reduce_sum3A_43 : vector<2000xf32>
    %mul3A_45 = arith.constant 0.00999999977 : f32
    %mul3A_46 = vector.broadcast %mul3A_45 : f32 to vector<2000xf32>
    %mul3A_47 = arith.mulf %mul3A_46, %sqrt3A_44 : vector<2000xf32>
    %gt3A = arith.cmpf ogt, %sqrt3A, %mul3A_47 : vector<2000xf32>
    %reduce_or3A = arith.constant 1.000000e+00 : f32
    %reduce_or3A_48 = arith.constant 0.000000e+00 : f32
    %reduce_or3A_49 = vector.broadcast %reduce_or3A : f32 to vector<2000xf32>
    %reduce_or3A_50 = vector.broadcast %reduce_or3A_48 : f32 to vector<2000xf32>
    %reduce_or3A_51 = arith.select %gt3A, %reduce_or3A_49, %reduce_or3A_50 : vector<2000xi1>, vector<2000xf32>
    %reduce_or3A_52 = vector.shape_cast %reduce_or3A_51 : vector<2000xf32> to vector<1x2000xf32>
    %reduce_or3A_53 = arith.constant dense<0xFF800000> : vector<1xf32>
    %reduce_or3A_54 = vector.multi_reduction <maximumf>, %reduce_or3A_52, %reduce_or3A_53 [1] : vector<1x2000xf32> to vector<1xf32>
    %reduce_or3A_55 = vector.shape_cast %reduce_or3A_54 : vector<1xf32> to vector<1x1xf32>
    %reduce_or3A_56 = vector.extract %reduce_or3A_55[0, 0] : f32 from vector<1x1xf32>
    %reduce_or3A_57 = arith.constant 0.000000e+00 : f32
    %reduce_or3A_58 = arith.cmpf ogt, %reduce_or3A_56, %reduce_or3A_57 : f32
    %eq3A = arith.constant 0 : i32
    %eq3A_59 = arith.cmpi eq, %arg0, %eq3A : i32
    %convert_element_type3A = arith.extui %eq3A_59 : i1 to i32
    %cond3A = arith.constant 0 : i32
    %cond3A_60 = arith.cmpi ne, %convert_element_type3A, %cond3A : i32
    scf.if %cond3A_60 {
      %swap3A_64 = arith.constant 0 : i32
      %swap3A_65 = arith.constant 0 : index
      %swap3A_66 = arith.constant 0 : index
      %swap3A_67 = memref.load %arg9[%swap3A_65, %swap3A_66] : memref<1x1xi32, #tpu.memory_space<smem>>
      memref.store %swap3A_64, %arg9[%swap3A_65, %swap3A_66] : memref<1x1xi32, #tpu.memory_space<smem>>
    } else {
    }
    %convert_element_type3A_61 = arith.extui %reduce_or3A_58 : i1 to i32
    %cond3A_62 = arith.constant 0 : i32
    %cond3A_63 = arith.cmpi ne, %convert_element_type3A_61, %cond3A_62 : i32
    scf.if %cond3A_63 {
      %swap3A_64 = arith.constant 1 : i32
      %swap3A_65 = arith.constant 0 : index
      %swap3A_66 = arith.constant 0 : index
      %swap3A_67 = memref.load %arg9[%swap3A_65, %swap3A_66] : memref<1x1xi32, #tpu.memory_space<smem>>
      memref.store %swap3A_64, %arg9[%swap3A_65, %swap3A_66] : memref<1x1xi32, #tpu.memory_space<smem>>
    } else {
    }
    return
  }
  func.func @transform_0(%arg0: i32) -> (i32, i32) {
    %c0_i32 = arith.constant 0 : i32
    %c0_i32_0 = arith.constant 0 : i32
    return %arg0, %c0_i32 : i32, i32
  }
  func.func @transform_1(%arg0: i32) -> (i32, i32, i32) {
    %c0_i32 = arith.constant 0 : i32
    %c0_i32_0 = arith.constant 0 : i32
    %c0_i32_1 = arith.constant 0 : i32
    return %c0_i32, %arg0, %c0_i32_0 : i32, i32, i32
  }
  func.func @transform_2(%arg0: i32) -> (i32, i32) {
    %c0_i32 = arith.constant 0 : i32
    %c0_i32_0 = arith.constant 0 : i32
    return %arg0, %c0_i32 : i32, i32
  }
  func.func @transform_3(%arg0: i32) -> (i32, i32) {
    %c0_i32 = arith.constant 0 : i32
    %c0_i32_0 = arith.constant 0 : i32
    %c0_i32_1 = arith.constant 0 : i32
    return %c0_i32, %c0_i32_0 : i32, i32
  }
  func.func @transform_4(%arg0: i32) -> (i32, i32) {
    %c0_i32 = arith.constant 0 : i32
    %c0_i32_0 = arith.constant 0 : i32
    %c0_i32_1 = arith.constant 0 : i32
    return %c0_i32, %c0_i32_0 : i32, i32
  }
  func.func @transform_5(%arg0: i32) -> (i32, i32) {
    %c0_i32 = arith.constant 0 : i32
    %c0_i32_0 = arith.constant 0 : i32
    %c0_i32_1 = arith.constant 0 : i32
    return %c0_i32, %c0_i32_0 : i32, i32
  }
  func.func @transform_6(%arg0: i32) -> (i32, i32) {
    %c0_i32 = arith.constant 0 : i32
    %c0_i32_0 = arith.constant 0 : i32
    %c0_i32_1 = arith.constant 0 : i32
    return %c0_i32, %c0_i32_0 : i32, i32
  }
  func.func @transform_7(%arg0: i32) -> (i32, i32) {
    %c0_i32 = arith.constant 0 : i32
    %c0_i32_0 = arith.constant 0 : i32
    return %arg0, %c0_i32 : i32, i32
  }
  func.func @transform_8(%arg0: i32) -> (i32, i32) {
    %c0_i32 = arith.constant 0 : i32
    %c0_i32_0 = arith.constant 0 : i32
    %c0_i32_1 = arith.constant 0 : i32
    return %c0_i32, %c0_i32_0 : i32, i32
  }
}

module attributes {stable_mosaic.version = 14 : i64} {
  func.func @_t3_body(%arg0: i32, %arg1: memref<2000x128xf32, #tpu.memory_space<vmem>>, %arg2: memref<2000x128xf32, #tpu.memory_space<vmem>>, %arg3: memref<2000x1xf32, #tpu.memory_space<vmem>>, %arg4: memref<2000x1xf32, #tpu.memory_space<vmem>>, %arg5: memref<128x256xf32, #tpu.memory_space<vmem>>, %arg6: memref<128x256xf32, #tpu.memory_space<vmem>>, %arg7: memref<1x256xf32, #tpu.memory_space<vmem>>, %arg8: memref<256x32xf32, #tpu.memory_space<vmem>>, %arg9: memref<1x32xf32, #tpu.memory_space<vmem>>, %arg10: memref<2000x32xf32, #tpu.memory_space<vmem>>) attributes {dimension_semantics = [#tpu.dimension_semantics<arbitrary>], iteration_bounds = array<i64: 5>, scalar_prefetch = 0 : i64, scratch_operands = 0 : i64, tpu.core_type = #tpu.core_type<tc>, window_params = [{transform_indices = @transform_0, window_bounds = array<i64: 2000, 128>}, {transform_indices = @transform_1, window_bounds = array<i64: 2000, 128>}, {transform_indices = @transform_2, window_bounds = array<i64: 2000, 1>}, {transform_indices = @transform_3, window_bounds = array<i64: 2000, 1>}, {pipeline_mode = #tpu.pipeline_mode<synchronous>, transform_indices = @transform_4, window_bounds = array<i64: 128, 256>}, {pipeline_mode = #tpu.pipeline_mode<synchronous>, transform_indices = @transform_5, window_bounds = array<i64: 128, 256>}, {pipeline_mode = #tpu.pipeline_mode<synchronous>, transform_indices = @transform_6, window_bounds = array<i64: 1, 256>}, {pipeline_mode = #tpu.pipeline_mode<synchronous>, transform_indices = @transform_7, window_bounds = array<i64: 256, 32>}, {pipeline_mode = #tpu.pipeline_mode<synchronous>, transform_indices = @transform_8, window_bounds = array<i64: 1, 32>}, {transform_indices = @transform_9, window_bounds = array<i64: 2000, 32>}]} {
    %get3A = arith.constant 0 : index
    %get3A_0 = arith.constant 0 : index
    %get3A_1 = vector.load %arg3[%get3A, %get3A_0] : memref<2000x1xf32, #tpu.memory_space<vmem>>, vector<2000x1xf32>
    %get3A_2 = arith.constant 0 : index
    %get3A_3 = arith.constant 0 : index
    %get3A_4 = vector.load %arg4[%get3A_2, %get3A_3] : memref<2000x1xf32, #tpu.memory_space<vmem>>, vector<2000x1xf32>
    %mul3A = arith.mulf %get3A_1, %get3A_4 : vector<2000x1xf32>
    %get3A_5 = arith.constant 0 : index
    %get3A_6 = arith.constant 0 : index
    %get3A_7 = vector.load %arg1[%get3A_5, %get3A_6] : memref<2000x128xf32, #tpu.memory_space<vmem>>, vector<2000x128xf32>
    %mul3A_8 = vector.broadcast %mul3A : vector<2000x1xf32> to vector<2000x128xf32>
    %mul3A_9 = arith.mulf %get3A_7, %mul3A_8 : vector<2000x128xf32>
    %get3A_10 = arith.constant 0 : index
    %get3A_11 = arith.constant 0 : index
    %get3A_12 = vector.load %arg2[%get3A_10, %get3A_11] : memref<2000x128xf32, #tpu.memory_space<vmem>>, vector<2000x128xf32>
    %mul3A_13 = vector.broadcast %mul3A : vector<2000x1xf32> to vector<2000x128xf32>
    %mul3A_14 = arith.mulf %get3A_12, %mul3A_13 : vector<2000x128xf32>
    %get3A_15 = arith.constant 0 : index
    %get3A_16 = arith.constant 0 : index
    %get3A_17 = vector.load %arg5[%get3A_15, %get3A_16] : memref<128x256xf32, #tpu.memory_space<vmem>>, vector<128x256xf32>
    %dot_general3A = arith.constant dense<0.000000e+00> : vector<2000x256xf32>
    %dot_general3A_18 = tpu.matmul %mul3A_9, %get3A_17, %dot_general3A {dimension_numbers = #tpu.dot_dimension_numbers<[1], [0], [0], [1], [0, 0, 1, 1], [], []>, transpose_lhs_hint = false} : vector<2000x128xf32>, vector<128x256xf32>, vector<2000x256xf32> -> vector<2000x256xf32>
    %get3A_19 = arith.constant 0 : index
    %get3A_20 = arith.constant 0 : index
    %get3A_21 = vector.load %arg6[%get3A_19, %get3A_20] : memref<128x256xf32, #tpu.memory_space<vmem>>, vector<128x256xf32>
    %dot_general3A_22 = arith.constant dense<0.000000e+00> : vector<2000x256xf32>
    %dot_general3A_23 = tpu.matmul %mul3A_14, %get3A_21, %dot_general3A_22 {dimension_numbers = #tpu.dot_dimension_numbers<[1], [0], [0], [1], [0, 0, 1, 1], [], []>, transpose_lhs_hint = false} : vector<2000x128xf32>, vector<128x256xf32>, vector<2000x256xf32> -> vector<2000x256xf32>
    %add3A = arith.addf %dot_general3A_18, %dot_general3A_23 : vector<2000x256xf32>
    %get3A_24 = arith.constant 0 : index
    %get3A_25 = arith.constant 0 : index
    %get3A_26 = vector.load %arg7[%get3A_24, %get3A_25] : memref<1x256xf32, #tpu.memory_space<vmem>>, vector<1x256xf32>
    %add3A_27 = vector.broadcast %get3A_26 : vector<1x256xf32> to vector<2000x256xf32>
    %add3A_28 = arith.addf %add3A, %add3A_27 : vector<2000x256xf32>
    %max3A = arith.constant 0.000000e+00 : f32
    %max3A_29 = vector.broadcast %max3A : f32 to vector<2000x256xf32>
    %max3A_30 = arith.maximumf %add3A_28, %max3A_29 : vector<2000x256xf32>
    %get3A_31 = arith.constant 0 : index
    %get3A_32 = arith.constant 0 : index
    %get3A_33 = vector.load %arg8[%get3A_31, %get3A_32] : memref<256x32xf32, #tpu.memory_space<vmem>>, vector<256x32xf32>
    %dot_general3A_34 = arith.constant dense<0.000000e+00> : vector<2000x32xf32>
    %dot_general3A_35 = tpu.matmul %max3A_30, %get3A_33, %dot_general3A_34 {dimension_numbers = #tpu.dot_dimension_numbers<[1], [0], [0], [1], [0, 0, 1, 1], [], []>, transpose_lhs_hint = false} : vector<2000x256xf32>, vector<256x32xf32>, vector<2000x32xf32> -> vector<2000x32xf32>
    %get3A_36 = arith.constant 0 : index
    %get3A_37 = arith.constant 0 : index
    %get3A_38 = vector.load %arg9[%get3A_36, %get3A_37] : memref<1x32xf32, #tpu.memory_space<vmem>>, vector<1x32xf32>
    %add3A_39 = vector.broadcast %get3A_38 : vector<1x32xf32> to vector<2000x32xf32>
    %add3A_40 = arith.addf %dot_general3A_35, %add3A_39 : vector<2000x32xf32>
    %swap3A = arith.constant 0 : index
    %swap3A_41 = arith.constant 0 : index
    %swap3A_42 = vector.load %arg10[%swap3A, %swap3A_41] : memref<2000x32xf32, #tpu.memory_space<vmem>>, vector<2000x32xf32>
    tpu.vector_store %arg10[%swap3A, %swap3A_41], %add3A_40 {strides = array<i32>} : memref<2000x32xf32, #tpu.memory_space<vmem>>, vector<2000x32xf32>,
    return
  }
  func.func @transform_0(%arg0: i32) -> (i32, i32) {
    %c0_i32 = arith.constant 0 : i32
    %c0_i32_0 = arith.constant 0 : i32
    return %arg0, %c0_i32 : i32, i32
  }
  func.func @transform_1(%arg0: i32) -> (i32, i32) {
    %c0_i32 = arith.constant 0 : i32
    %c0_i32_0 = arith.constant 0 : i32
    return %arg0, %c0_i32 : i32, i32
  }
  func.func @transform_2(%arg0: i32) -> (i32, i32) {
    %c0_i32 = arith.constant 0 : i32
    %c0_i32_0 = arith.constant 0 : i32
    return %arg0, %c0_i32 : i32, i32
  }
  func.func @transform_3(%arg0: i32) -> (i32, i32) {
    %c0_i32 = arith.constant 0 : i32
    %c0_i32_0 = arith.constant 0 : i32
    return %arg0, %c0_i32 : i32, i32
  }
  func.func @transform_4(%arg0: i32) -> (i32, i32) {
    %c0_i32 = arith.constant 0 : i32
    %c0_i32_0 = arith.constant 0 : i32
    %c0_i32_1 = arith.constant 0 : i32
    return %c0_i32, %c0_i32_0 : i32, i32
  }
  func.func @transform_5(%arg0: i32) -> (i32, i32) {
    %c0_i32 = arith.constant 0 : i32
    %c0_i32_0 = arith.constant 0 : i32
    %c0_i32_1 = arith.constant 0 : i32
    return %c0_i32, %c0_i32_0 : i32, i32
  }
  func.func @transform_6(%arg0: i32) -> (i32, i32) {
    %c0_i32 = arith.constant 0 : i32
    %c0_i32_0 = arith.constant 0 : i32
    %c0_i32_1 = arith.constant 0 : i32
    return %c0_i32, %c0_i32_0 : i32, i32
  }
  func.func @transform_7(%arg0: i32) -> (i32, i32) {
    %c0_i32 = arith.constant 0 : i32
    %c0_i32_0 = arith.constant 0 : i32
    %c0_i32_1 = arith.constant 0 : i32
    return %c0_i32, %c0_i32_0 : i32, i32
  }
  func.func @transform_8(%arg0: i32) -> (i32, i32) {
    %c0_i32 = arith.constant 0 : i32
    %c0_i32_0 = arith.constant 0 : i32
    %c0_i32_1 = arith.constant 0 : i32
    return %c0_i32, %c0_i32_0 : i32, i32
  }
  func.func @transform_9(%arg0: i32) -> (i32, i32) {
    %c0_i32 = arith.constant 0 : i32
    %c0_i32_0 = arith.constant 0 : i32
    return %arg0, %c0_i32 : i32, i32
  }
}

</mosaic_0001>

<sc_bundles>
// kernel: body.8.cloned.1.call-start
scs
__scs_entry_jumppad:
0x0: {  	(pc) =	sbr.rel $0x88, $3  }
0x1: {  	(tag) =	ssettag $0x0;
	lr =	simm.s32 $0x1  }
0x2: {  	[smem:$0x3F93] =	sst lr;
	_ =	strace $0xD0000000  }
0x3: {  	_ = 	snop  }
0x4: {  	_ = 	snop  }
0x5: {  	_ = 	snop  }
0x6: {  	_ = 	snop  }
0x7: {  	_ = 	snop  }
__scs_overlays_trampoline_lowered:
0x8: {  	[smem:$0x3FA2] =	sst s0  }
0x9: {  	[smem:$0x3FA3] =	sst s1  }
0xa: {  	[smem:$0x3FA4] =	sst s2  }
0xb: {  	[smem:$0x3FA5] =	sst s3  }
0xc: {  	[smem:$0x3FA6] =	sst s4  }
0xd: {  	[smem:$0x3FA7] =	sst s5  }
0xe: {  	[smem:$0x3FA8] =	sst s6  }
0xf: {  	[smem:$0x3FA9] =	sst s7  }
0x10: {  	[smem:$0x3FAA] =	sst s8  }
0x11: {  	[smem:$0x3FAB] =	sst s9;
	s0 =	simm.s32 @!p0 $0x0  }
0x12: {  	s1 =	sld [smem:$0x3F91];
	s0 =	simm.s32 @p0 $0x1  }
0x13: {  	[smem:$0x3FAC] =	sst s0;
	s0 =	simm.s32 @!p1 $0x0  }
0x14: {  	s2 =	sld [smem:$0x3F90];
	s0 =	simm.s32 @p1 $0x1  }
0x15: {  	[smem:$0x3FAD] =	sst s0;
	s0 =	simm.s32 @!p2 $0x0  }
0x16: {  	s3 =	sld [smem:$0x3FDB];
	s0 =	simm.s32 @p2 $0x1  }
0x17: {  	s4 =	simm.s32 $0x1BF5;
	[smem:$0x3FAF] =	sst s0  }
0x18: {  	s0 =	sld [smem:$0x3F92];
	_ =	swait.ge [sflag:s4], $0x0  }
0x19: {  	s7 =	sld [smem:$0x3F93]  }
0x1a: {  	s8 =	sadd.s32 $0xFFFFE003, lr  }
0x1b: {  	s9 =	sadd.s32 $0xFFFFFEF7, lr;
	s5 =	simm.s32 $0xFFFFFFFF;
	p2 =	slt.u32 s8, $0xFFFFF086  }
0x1c: {  	p1 =	slt.u32 s9, $0xF7A;
	s5 =	simm.s32 @!p2 $0x0  }
0x1d: {  	s5 =	simm.s32 @p1 $0x1;
	p0 =	seq.s32 s7, s2  }
0x1e: {  	s7 =	smul.u32 @!p0 $0xF7A, s2;
	p2 =	seq.s32 @!p0 s5, $0x0  }
0x1f: {  	s9 =	smul.u32 $0xF7A, s1;
	s8 =	simm.s32 @!p0 $0x1BF5;
	p2 =	por !p2, p0  }
0x20: {  	[sflag:s8] =	ssyncset.s32 @!p0 $0xFFFFF086;
	s6 =	sadd.s32 @!p0 s3, s7;
	s7 =	simm.s32 @!p0 $0x108  }
0x21: {  	s3 =	sadd.s32 s3, s9;
	s6 =	sadd.s32 @!p0 $0x88, s6;
	s7 =	simm.s32 @p2 $0x1082  }
0x22: {  	[simem:s7], [sflag:s8] =	dma.local @!p0 [hbm:s6], $0xF7A  }
0x23: {  	s9 =	sor.u32 $0xD0000000, s2;
	s6 =	simm.s32 $0x108;
	_ =	swait.ge @!p0 [sflag:s8], $0x0  }
0x24: {  	s3 =	sadd.s32 $0x88, s3;
	s6 =	simm.s32 @!p1 $0x1082;
	[sflag:s4] =	ssyncset.s32 $0xFFFFF086  }
0x25: {  	[simem:s6], [sflag:s4] =	dma.local [hbm:s3], $0xF7A  }
0x26: {  	[smem:$0x3F93] =	sst s1;
	(tag) =	ssettag s2;
	_ =	strace s9  }
0x27: {  	s1 =	sld [smem:$0x3FA3]  }
0x28: {  	s2 =	sld [smem:$0x3FA4]  }
0x29: {  	s4 =	sld [smem:$0x3FA6]  }
0x2a: {  	p0 =	seq.s32 s5, $0x0;
	s5 =	sld [smem:$0x3FA7]  }
0x2b: {  	s6 =	sld [smem:$0x3FA8]  }
0x2c: {  	s7 =	sld [smem:$0x3FA9]  }
0x2d: {  	s3 =	simm.s32 $0x108;
	s8 =	sld [smem:$0x3FAA]  }
0x2e: {  	s3 =	simm.s32 @!p0 $0x1082;
	s9 =	sld [smem:$0x3FAB]  }
0x2f: {  	lr =	sadd.s32 s0, s3;
	s0 =	sld [smem:$0x3FA2]  }
0x30: {  	s3 =	sld [smem:$0x3FA5]  }
0x31: {  	[smem:$0x3FAE] =	sst s10  }
0x32: {  	s10 =	sld [smem:$0x3FAC];
	_ =	sdelay $0x3  }
0x33: {  	p0 =	seq.s32 s10, $0x1;
	s10 =	sld [smem:$0x3FAE];
	_ =	sdelay $0x3  }
0x34: {  	[smem:$0x3FAE] =	sst s10  }
0x35: {  	s10 =	sld [smem:$0x3FAD];
	_ =	sdelay $0x3  }
0x36: {  	p1 =	seq.s32 s10, $0x1;
	s10 =	sld [smem:$0x3FAE];
	_ =	sdelay $0x3  }
0x37: {  	[smem:$0x3FAE] =	sst s10  }
0x38: {  	s10 =	sld [smem:$0x3FAF]  }
0x39: {  	_ = 	snop;
	(pc) =	sbr.ind lr, $3  }
0x3a: {  	_ = 	snop  }
0x3b: {  	_ = 	snop  }
0x3c: {  	p2 =	seq.s32 s10, $0x1;
	s10 =	sld [smem:$0x3FAE]  }
0x3d: {  	_ =	shalt  }
0x3e: {  	_ =	shalt  }
0x3f: {  	_ =	shalt  }
0x40: {  	_ =	shalt  }
0x41: {  	_ =	shalt  }
0x42: {  	_ =	shalt  }
0x43: {  	_ =	shalt  }
0x44: {  	_ =	shalt  }
0x45: {  	_ =	shalt  }
0x46: {  	_ =	shalt  }
0x47: {  	_ =	shalt  }
0x48: {  	_ =	shalt  }
0x49: {  	_ =	shalt  }
0x4a: {  	_ =	shalt  }
0x4b: {  	_ =	shalt  }
0x4c: {  	_ =	shalt  }
0x4d: {  	_ =	shalt  }
0x4e: {  	_ =	shalt  }
0x4f: {  	_ =	shalt  }
0x50: {  	_ =	shalt  }
0x51: {  	_ =	shalt  }
0x52: {  	_ =	shalt  }
0x53: {  	_ =	shalt  }
0x54: {  	_ =	shalt  }
0x55: {  	_ =	shalt  }
0x56: {  	_ =	shalt  }
0x57: {  	_ =	shalt  }
0x58: {  	_ =	shalt  }
0x59: {  	_ =	shalt  }
0x5a: {  	_ =	shalt  }
0x5b: {  	_ =	shalt  }
0x5c: {  	_ =	shalt  }
0x5d: {  	_ =	shalt  }
0x5e: {  	_ =	shalt  }
0x5f: {  	_ =	shalt  }
0x60: {  	_ =	shalt  }
0x61: {  	_ =	shalt  }
0x62: {  	_ =	shalt  }
0x63: {  	_ =	shalt  }
0x64: {  	_ =	shalt  }
0x65: {  	_ =	shalt  }
0x66: {  	_ =	shalt  }
0x67: {  	_ =	shalt  }
0x68: {  	_ =	shalt  }
0x69: {  	_ =	shalt  }
0x6a: {  	_ =	shalt  }
0x6b: {  	_ =	shalt  }
0x6c: {  	_ =	shalt  }
0x6d: {  	_ =	shalt  }
0x6e: {  	_ =	shalt  }
0x6f: {  	_ =	shalt  }
0x70: {  	_ =	shalt  }
0x71: {  	_ =	shalt  }
0x72: {  	_ =	shalt  }
0x73: {  	_ =	shalt  }
0x74: {  	_ =	shalt  }
0x75: {  	_ =	shalt  }
0x76: {  	_ =	shalt  }
0x77: {  	_ =	shalt  }
0x78: {  	_ =	shalt  }
0x79: {  	_ =	shalt  }
0x7a: {  	_ =	shalt  }
0x7b: {  	_ =	shalt  }
0x7c: {  	_ =	shalt  }
0x7d: {  	_ =	shalt  }
0x7e: {  	_ =	shalt  }
0x7f: {  	_ =	shalt  }
0x80: {  	_ =	shalt  }
0x81: {  	_ =	shalt  }
0x82: {  	_ =	shalt  }
0x83: {  	_ =	shalt  }
0x84: {  	_ =	shalt  }
0x85: {  	_ =	shalt  }
0x86: {  	_ =	shalt  }
0x87: {  	_ =	shalt  }
.Lfunc_end0:
.L_simem_size_0:
called_computation_lowered:
.L_overlay_start_0:
0x88: {  	s2 =	sld [smem:$0x3FD9]  }
0x89: {  	s3 =	sld [smem:$0x3FFE];
	_ =	sdelay $0x1  }
0x8a: {  	s1 =	srdreg.scid  }
0x8b: {  	s0 =	sand.u32 $0x1, s1  }
0x8c: {  	s17 =	sshll.u32 s0, $0xA;
	s2 =	sadd.s32 s3, s2  }
0x8d: {  	s2 =	sadd.s32 s2, s17  }
0x8e: {  	[smem:$0x3FBA] =	sst s2  }
0x8f: {  	_ = 	snop  }
0x90: {  	s2 =	sld [smem:$0x3FD0];
	(tm) =	ssettm $0x1  }
0x91: {  	s18 =	sld [smem:$0x3FFB];
	_ =	sdelay $0x3  }
0x92: {  	_ =	strace s18  }
0x93: {  	s3 =	sld [smem:$0x3FFC];
	_ =	sdelay $0x3  }
0x94: {  	_ =	strace s3  }
0x95: {  	s3 =	sld [smem:$0x3FFD];
	_ =	sdelay $0x3  }
0x96: {  	_ =	strace s3  }
0x97: {  	_ =	strace $0x8FFFFFFF  }
0x98: {  	s19 =	sld [smem:$0x3FDB];
	_ =	sdelay $0x1  }
0x99: {  	s4 =	simm.s32 $_scs_section_size  }
0x9a: {  	s5 =	simm.s32 $_size__tile_overlayer_lowered;
	s6 =	simm.s32 $_tile_overlayer_lowered  }
0x9b: {  	s22 =	simm.s32 $0x1BFF;
	s21 =	sshll.u32 s6, $0x1;
	s3 =	sadd.s32 s4, s19  }
0x9c: {  	s7 =	simm.s32 $0x0;
	s20 =	sshll.u32 s5, $0x1;
	s5 =	sadd.s32 s21, s3  }
0x9d: {  	[timem:s7], [sflag:s22] =	dma.local [hbm:s5], s20  }
0x9e: {  	_ =	swait.ge [sflag:s22], s20  }
0x9f: {  	s4 =	ssub.s32 $0x0, s20;
	[sflag:s22] =	ssyncset.done $0x0  }
0xa0: {  	[sflag:s22] =	ssyncadd.s32 s4;
	_ =	sdelay $0x1  }
0xa1: {  	s23 =	simm.s32 $0x1B8B  }
0xa2: {  	_ =	swait.ge [sflag:s23], $0x1  }
0xa3: {  	[sflag:s23] =	ssyncset.done $0x0  }
0xa4: {  	s25 =	simm.s32 $0x1B8E;
	s24 =	sld [smem:$0x3FFE];
	[sflag:s23] =	ssyncadd.s32 $0xFFFFFFFF  }
0xa5: {  	s26 =	simm.s32 $execute0_lowered;
	[smem:$0x3FD2] =	sst s25  }
0xa6: {  	s5 =	sshll.u32 s26, $0x1;
	_ =	strace $0x8000004C;
	[dreg:$0x1] =	wrdreg $0xFFFFFFFF  }
0xa7: {  	s28 =	simm.s32 $_size_execute0_lowered;
	s3 =	sadd.s32 s3, s5;
	[dreg:$0x0] =	wrdreg $0x0  }
0xa8: {  	s5 =	sshll.u32 s28, $0x1;
	[dreg:$0x2] =	wrdreg s3  }
0xa9: {  	[dreg:$0x3] =	wrdreg s5  }
0xaa: {  	[dreg:$0x4] =	wrdreg $0xC0  }
0xab: {  	_ =	task [dreg:s7], $0x5FFFF  }
0xac: {  	[dreg:$0x1] =	wrdreg $0xFFFFFFFF  }
0xad: {  	[dreg:$0x0] =	wrdreg $0x60  }
0xae: {  	[dreg:$0x2] =	wrdreg s24  }
0xaf: {  	[dreg:$0x3] =	wrdreg s2  }
0xb0: {  	[dreg:$0x4] =	wrdreg $0x90000  }
0xb1: {  	[dreg:$0x5] =	wrdreg $0x9  }
0xb2: {  	_ =	task.clear_ibuf [dreg:s7], $0x6FFFF;
	_ =	strace $0x9000004C  }
0xb3: {  	s29 =	simm.s32 $0x9;
	_ =	strace $0x8000004E  }
0xb4: {  	_ =	swait.ge [sflag:s29], $0x1  }
0xb5: {  	[sflag:s29] =	ssyncadd.s32 $0xFFFFFFFF  }
0xb6: {  	_ =	strace $0x9000004E  }
0xb7: {  	_ =	sfence  }
0xb8: {  	s30 =	sld [smem:$0x0];
	_ =	sdelay $0x2  }
0xb9: {  	s31 =	sshll.u32 s1, $0xD;
	s1 =	sshrl.u32 s1, $0x2  }
0xba: {  	s3 =	sand.u32 $0x4000, s31;
	s1 =	sadd.s32 s1, s30  }
0xbb: {  	s0 =	sor.u32 s3, s0;
	s1 =	sshll.u32 s1, $0x11  }
0xbc: {  	s0 =	sor.u32 s1, s0  }
0xbd: {  	s0 =	sadd.s32 $0x8F2B, s0  }
0xbe: {  	[sflag:s0] =	ssyncadd.remote.s32 $0x1  }
0xbf: {  	_ =	sfence.sel $0xFFFF  }
0xc0: {  	[dreg:$0x0] =	wrdreg $0xFFFFFFFF;
	(pc) =	sbr.abs _section_cstart, $3  }
0xc1: {  	[dreg:$0x1] =	wrdreg $0xFFFFFFFF  }
0xc2: {  	_ =	task.clear_ibuf [dreg:s7], $0x2FFFF;
	_ =	strace $0x9FFFFFFF  }
0xc3: {  	(tm) =	ssettm $0x7FFFFFFF  }
tec
execute0_lowered:
.L_overlay_start_1:
0x0: {  	(tag) =	ssettag $0x1  }
0x1: {  	s6 =	rddreg [dreg:$0x0]  }
0x2: {  	s2 =	rddreg [dreg:$0x1]  }
0x3: {  	s0 =	srdreg.scid;
	s3 =	rddreg [dreg:$0x2]  }
0x4: {  	s1 =	stileid.u32;
	s4 =	simm.s32 $0x0;
	s16 =	simm.s32 $0x5000  }
0x5: {  	s17 =	simm.s32 $0x2;
	s18 =	simm.s32 $0x3;
	s22 =	simm.s32 $0x0  }
0x6: {  	s7 =	sand.u32 $0x1, s0;
	s0 =	rddreg [dreg:$0x3];
	s11 =	smul.u32 $0x4F000, s1  }
0x7: {  	[smem:$0x7FF] =	sst s4;
	s10 =	sadd.s32 $0x11A600, s6;
	s30 =	smul.u32 $0x14000, s1  }
0x8: {  	s31 =	sshll.u32 s1, $0x6;
	s14 =	smul.u32 $0x50000, s1;
	s19 =	sadd.s32 $0x12C000, s3  }
0x9: {  	p0 =	seq.s32 s1, $0xF;
	s5 =	sshll.u32 s7, $0x4;
	_ =	strace $0x8000004D  }
0xa: {  	s9 =	ssub.s32 $0x2, s7;
	s28 =	smul.u32 $0x138800, s7;
	s19 =	sshrl.u32 @p0 s19, $0x3  }
0xb: {  	s20 =	sshll.u32 @!p0 s1, $0x6;
	s5 =	sor.u32 s1, s5;
	s26 =	sshrl.u32 s9, $0x1  }
0xc: {  	s29 =	sshrl.u32 s11, $0x2;
	s14 =	sshrl.u32 s14, $0x2;
	s20 =	sor.u32 @!p0 $0x1C04, s20  }
0xd: {  	s8 =	smul.u32 $0x500, s5;
	s5 =	sadd.s32 $0x65E00, s6;
	s12 =	ssub.s32 s9, s26  }
0xe: {  	s13 =	sadd.s32 s29, s3;
	s11 =	sadd.s32 s30, s28;
	s9 =	sshrl.u32 s28, $0x3  }
0xf: {  	s21 =	sadd.s32 s14, s3;
	s14 =	simm.s32 $0x1;
	s11 =	sshrl.u32 s11, $0x3  }
0x10: {  	s15 =	sadd.s32 s10, s9;
	s13 =	sshrl.u32 s13, $0x3;
	s21 =	sshrl.u32 @!p0 s21, $0x3  }
0x11: {  	s8 =	sadd.s32 s8, s6;
	s9 =	sadd.s32 s10, s11;
	s10 =	sadd.s32 $0x25800, s15  }
0x12: {  	s11 =	smax.u32 s12, $0x1;
	s12 =	simm.s32 $0x2800;
	s15 =	simm.s32 $0x80  }
0x13: {  	s6 =	sadd.s32 $0x3C00, s8;
	s7 =	sadd.s32 $0xDC00, s8;
	s8 =	sor.u32 $0x1C01, s31  }
.LBB2_1:
0x14: {  	[tilespmem:s4], [sflag:$0x1] =	stream.linear.gather [hbm4b:s6+s4], $0x2800, $0x38;
	[tilespmem:$0x1CC00] =	vst v63  }
0x15: {  	_ = 	snop  }
0x16: {  	[tilespmem:s12], [sflag:$0x1] =	stream.linear.gather [hbm4b:s7+s4], $0x2800, $0x38;
	[tilespmem:$0x1CC00] =	vst v63  }
0x17: {  	[spmem:s13], [sflag:s8] =	dma.local [hbm:s2], $0x2780  }
0x18: {  	_ =	swait.ge [sflag:s14], $0x2800  }
0x19: {  	[sflag:s14] =	ssyncset.done $0x0  }
0x1a: {  	[sflag:s14] =	ssyncadd.s32 $0xFFFFD800  }
0x1b: {  	_ =	swait.ge [sflag:s14], $0x2800  }
0x1c: {  	[sflag:s14] =	ssyncset.done $0x0  }
0x1d: {  	[sflag:s14] =	ssyncadd.s32 $0xFFFFD800  }
0x1e: {  	_ =	swait.ge [sflag:s14], $0x2780  }
0x1f: {  	[sflag:s14] =	ssyncset.done $0x0  }
0x20: {  	[sflag:s14] =	ssyncadd.s32 $0xFFFFD880  }
0x21: {  	s23 =	simm.s32 $0x0;
	[bflag:$0x0] =	sbarrier.arrive $0xFFFF  }
0x22: {  	[tilespmem:s16], [sflag:$0x2] =	stream.indirect.gather [hbm4b:s5+s15], $0x80, s23, s15, $0xb8;
	[tilespmem:$0x1CC00] =	vst v63  }
0x23: {  	_ =	swait.ge [sflag:s17], $0x4000  }
0x24: {  	[sflag:s17] =	ssyncset.done $0x0  }
0x25: {  	s31 =	simm.s32 $0x2800;
	[sflag:s17] =	ssyncadd.s32 $0xFFFFC000  }
0x26: {  	[spmem:s3] =	stream.indirect.scatter.add.f32 [tilespmem:s16], [sflag:$0x3], $0x80, s31, s15, $0xb8;
	[tilespmem:$0x1CC00] =	vst v63  }
0x27: {  	_ =	swait.ge [sflag:s18], $0x4000  }
0x28: {  	s24 =	simm.s32 $0x400;
	s23 =	simm.s32 $0x200;
	[sflag:s18] =	ssyncset.done $0x0  }
.LBB2_2:
0x29: {  	s25 =	sshra.s32 s23, $0x2  }
0x2a: {  	[sflag:s18] =	ssyncadd.s32 $0xFFFFC000;
	s23 =	smov.u32 s24;
	s26 =	sadd.s32 $0x200, s24  }
0x2b: {  	[tilespmem:s16], [sflag:$0x2] =	stream.indirect.gather [hbm4b:s5+s15], $0x80, s25, s15, $0xb8;
	[tilespmem:$0x1CC00] =	vst v63  }
0x2c: {  	p1 =	sne.s32 s24, $0x9E00;
	_ =	swait.ge [sflag:s17], $0x4000  }
.Ltmp0:
0x2d: {  	[sflag:s17] =	ssyncset.done $0x0;
	(pc) =	sbr.rel @p1 .LBB2_2-.Ltmp0, $4  }
0x2e: {  	s24 =	sadd.s32 $0x2800, s25;
	[sflag:s17] =	ssyncadd.s32 $0xFFFFC000  }
0x2f: {  	[spmem:s3] =	stream.indirect.scatter.add.f32 [tilespmem:s16], [sflag:$0x3], $0x80, s24, s15, $0xb8;
	[tilespmem:$0x1CC00] =	vst v63  }
0x30: {  	_ =	swait.ge [sflag:s18], $0x4000  }
0x31: {  	s24 =	smov.u32 s26;
	[sflag:s18] =	ssyncset.done $0x0  }
0x32: {  	s23 =	sshra.s32 s23, $0x2;
	[sflag:s18] =	ssyncadd.s32 $0xFFFFC000  }
0x33: {  	[tilespmem:s16], [sflag:$0x2] =	stream.indirect.gather [hbm4b:s5+s15], $0x80, s23, s15, $0xb8;
	[tilespmem:$0x1CC00] =	vst v63  }
0x34: {  	_ =	swait.ge [sflag:s17], $0x4000  }
0x35: {  	[sflag:s17] =	ssyncset.done $0x0  }
0x36: {  	s23 =	sadd.s32 $0x2800, s23;
	[sflag:s17] =	ssyncadd.s32 $0xFFFFC000  }
0x37: {  	[spmem:s3] =	stream.indirect.scatter.add.f32 [tilespmem:s16], [sflag:$0x3], $0x80, s23, s15, $0xb8;
	[tilespmem:$0x1CC00] =	vst v63  }
0x38: {  	_ =	swait.ge [sflag:s18], $0x4000  }
0x39: {  	[sflag:s18] =	ssyncset.done $0x0  }
0x3a: {  	[sflag:s18] =	ssyncadd.s32 $0xFFFFC000  }
0x3b: {  	s23 =	simm.s32 @p0 $0x1FC4;
	[bflag:$0x0] =	sbarrier.arrive $0xFFFF  }
0x3c: {  	[hbm:s10], [sflag:s23] =	dma.local @p0 [spmem:s19], $0x1900  }
0x3d: {  	s23 =	simm.s32 @p0 $0x4  }
0x3e: {  	s22 =	sadd.s32 $0x1, s22;
	_ =	swait.ge @p0 [sflag:s23], $0x1900  }
0x3f: {  	p1 =	sne.s32 s22, s11;
	[sflag:s23] =	ssyncset.done @p0 $0x0  }
.Ltmp1:
0x40: {  	[sflag:s23] =	ssyncadd.s32 @p0 $0xFFFFE700;
	s23 =	simm.s32 @!p0 $0x4;
	(pc) =	sbr.rel @p1 .LBB2_1-.Ltmp1, $4  }
0x41: {  	[hbm:s9], [sflag:s20] =	dma.local @!p0 [spmem:s21], $0x2800  }
0x42: {  	_ =	swait.ge @!p0 [sflag:s23], $0x2800  }
0x43: {  	[sflag:s23] =	ssyncset.done @!p0 $0x0  }
0x44: {  	[sflag:s23] =	ssyncadd.s32 @!p0 $0xFFFFD800  }
0x45: {  	_ =	sfence.sel $0x180000  }
0x46: {  	[bflag:$0x0] =	sbarrier.arrive $0xFFFF  }
0x47: {  	p0 =	sne.s32 s1, $0x0;
	_ =	strace $0x9000004D  }
0x48: {  	s0 =	sadd.s32 @!p0 $0x100000, s0;
	[bflag:$0x2] =	sbarrier.arrive $0xFFFF  }
0x49: {  	[sflag:s0] =	ssyncadd.tile.s32 @!p0 $0x1;
	_ =	shalt  }
.Lfunc_end2:
_tile_overlayer_lowered:
.L_overlay_start_2:
0x4a: {  	(tag) =	ssettag $0x2  }
0x4b: {  	s0 =	rddreg [dreg:$0x0];
	s2 =	stileid.u32  }
0x4c: {  	s1 =	rddreg [dreg:$0x1];
	p0 =	sne.s32 s2, $0x0  }
0x4d: {  	s3 =	rddreg [dreg:$0x2];
	[bflag:$0x3] =	sbarrier.arrive $0xFFFF;
	s2 =	simm.s32 @!p0 $0x1C04  }
0x4e: {  	[timem:s3], [sflag:s2] =	dma.local @!p0 [hbm:s0], s1  }
0x4f: {  	s0 =	simm.s32 @!p0 $0x4  }
0x50: {  	_ =	swait.ge @!p0 [sflag:s0], s1  }
0x51: {  	s1 =	ssub.s32 @!p0 $0x0, s1;
	[sflag:s0] =	ssyncset.done @!p0 $0x0  }
0x52: {  	[sflag:s0] =	ssyncadd.s32 @!p0 s1  }
0x53: {  	[bflag:$0x3] =	sbarrier.arrive $0xFFFF  }
0x54: {  	_ =	shalt  }

// kernel: kernel.6.cloned.1.call-start
scs
__scs_entry_jumppad:
0x0: {  	(pc) =	sbr.rel $0x88, $3  }
0x1: {  	(tag) =	ssettag $0x0;
	lr =	simm.s32 $0x1  }
0x2: {  	[smem:$0x3F93] =	sst lr;
	_ =	strace $0xD0000000  }
0x3: {  	_ = 	snop  }
0x4: {  	_ = 	snop  }
0x5: {  	_ = 	snop  }
0x6: {  	_ = 	snop  }
0x7: {  	_ = 	snop  }
__scs_overlays_trampoline_lowered:
0x8: {  	[smem:$0x3FA2] =	sst s0  }
0x9: {  	[smem:$0x3FA3] =	sst s1  }
0xa: {  	[smem:$0x3FA4] =	sst s2  }
0xb: {  	[smem:$0x3FA5] =	sst s3  }
0xc: {  	[smem:$0x3FA6] =	sst s4  }
0xd: {  	[smem:$0x3FA7] =	sst s5  }
0xe: {  	[smem:$0x3FA8] =	sst s6  }
0xf: {  	[smem:$0x3FA9] =	sst s7  }
0x10: {  	[smem:$0x3FAA] =	sst s8  }
0x11: {  	[smem:$0x3FAB] =	sst s9;
	s0 =	simm.s32 @!p0 $0x0  }
0x12: {  	s1 =	sld [smem:$0x3F91];
	s0 =	simm.s32 @p0 $0x1  }
0x13: {  	[smem:$0x3FAC] =	sst s0;
	s0 =	simm.s32 @!p1 $0x0  }
0x14: {  	s2 =	sld [smem:$0x3F90];
	s0 =	simm.s32 @p1 $0x1  }
0x15: {  	[smem:$0x3FAD] =	sst s0;
	s0 =	simm.s32 @!p2 $0x0  }
0x16: {  	s3 =	sld [smem:$0x3FDB];
	s0 =	simm.s32 @p2 $0x1  }
0x17: {  	s4 =	simm.s32 $0x1BF5;
	[smem:$0x3FAF] =	sst s0  }
0x18: {  	s0 =	sld [smem:$0x3F92];
	_ =	swait.ge [sflag:s4], $0x0  }
0x19: {  	s7 =	sld [smem:$0x3F93]  }
0x1a: {  	s8 =	sadd.s32 $0xFFFFE003, lr  }
0x1b: {  	s9 =	sadd.s32 $0xFFFFFEF7, lr;
	s5 =	simm.s32 $0xFFFFFFFF;
	p2 =	slt.u32 s8, $0xFFFFF086  }
0x1c: {  	p1 =	slt.u32 s9, $0xF7A;
	s5 =	simm.s32 @!p2 $0x0  }
0x1d: {  	s5 =	simm.s32 @p1 $0x1;
	p0 =	seq.s32 s7, s2  }
0x1e: {  	s7 =	smul.u32 @!p0 $0xF7A, s2;
	p2 =	seq.s32 @!p0 s5, $0x0  }
0x1f: {  	s9 =	smul.u32 $0xF7A, s1;
	s8 =	simm.s32 @!p0 $0x1BF5;
	p2 =	por !p2, p0  }
0x20: {  	[sflag:s8] =	ssyncset.s32 @!p0 $0xFFFFF086;
	s6 =	sadd.s32 @!p0 s3, s7;
	s7 =	simm.s32 @!p0 $0x108  }
0x21: {  	s3 =	sadd.s32 s3, s9;
	s6 =	sadd.s32 @!p0 $0x88, s6;
	s7 =	simm.s32 @p2 $0x1082  }
0x22: {  	[simem:s7], [sflag:s8] =	dma.local @!p0 [hbm:s6], $0xF7A  }
0x23: {  	s9 =	sor.u32 $0xD0000000, s2;
	s6 =	simm.s32 $0x108;
	_ =	swait.ge @!p0 [sflag:s8], $0x0  }
0x24: {  	s3 =	sadd.s32 $0x88, s3;
	s6 =	simm.s32 @!p1 $0x1082;
	[sflag:s4] =	ssyncset.s32 $0xFFFFF086  }
0x25: {  	[simem:s6], [sflag:s4] =	dma.local [hbm:s3], $0xF7A  }
0x26: {  	[smem:$0x3F93] =	sst s1;
	(tag) =	ssettag s2;
	_ =	strace s9  }
0x27: {  	s1 =	sld [smem:$0x3FA3]  }
0x28: {  	s2 =	sld [smem:$0x3FA4]  }
0x29: {  	s4 =	sld [smem:$0x3FA6]  }
0x2a: {  	p0 =	seq.s32 s5, $0x0;
	s5 =	sld [smem:$0x3FA7]  }
0x2b: {  	s6 =	sld [smem:$0x3FA8]  }
0x2c: {  	s7 =	sld [smem:$0x3FA9]  }
0x2d: {  	s3 =	simm.s32 $0x108;
	s8 =	sld [smem:$0x3FAA]  }
0x2e: {  	s3 =	simm.s32 @!p0 $0x1082;
	s9 =	sld [smem:$0x3FAB]  }
0x2f: {  	lr =	sadd.s32 s0, s3;
	s0 =	sld [smem:$0x3FA2]  }
0x30: {  	s3 =	sld [smem:$0x3FA5]  }
0x31: {  	[smem:$0x3FAE] =	sst s10  }
0x32: {  	s10 =	sld [smem:$0x3FAC];
	_ =	sdelay $0x3  }
0x33: {  	p0 =	seq.s32 s10, $0x1;
	s10 =	sld [smem:$0x3FAE];
	_ =	sdelay $0x3  }
0x34: {  	[smem:$0x3FAE] =	sst s10  }
0x35: {  	s10 =	sld [smem:$0x3FAD];
	_ =	sdelay $0x3  }
0x36: {  	p1 =	seq.s32 s10, $0x1;
	s10 =	sld [smem:$0x3FAE];
	_ =	sdelay $0x3  }
0x37: {  	[smem:$0x3FAE] =	sst s10  }
0x38: {  	s10 =	sld [smem:$0x3FAF]  }
0x39: {  	_ = 	snop;
	(pc) =	sbr.ind lr, $3  }
0x3a: {  	_ = 	snop  }
0x3b: {  	_ = 	snop  }
0x3c: {  	p2 =	seq.s32 s10, $0x1;
	s10 =	sld [smem:$0x3FAE]  }
0x3d: {  	_ =	shalt  }
0x3e: {  	_ =	shalt  }
0x3f: {  	_ =	shalt  }
0x40: {  	_ =	shalt  }
0x41: {  	_ =	shalt  }
0x42: {  	_ =	shalt  }
0x43: {  	_ =	shalt  }
0x44: {  	_ =	shalt  }
0x45: {  	_ =	shalt  }
0x46: {  	_ =	shalt  }
0x47: {  	_ =	shalt  }
0x48: {  	_ =	shalt  }
0x49: {  	_ =	shalt  }
0x4a: {  	_ =	shalt  }
0x4b: {  	_ =	shalt  }
0x4c: {  	_ =	shalt  }
0x4d: {  	_ =	shalt  }
0x4e: {  	_ =	shalt  }
0x4f: {  	_ =	shalt  }
0x50: {  	_ =	shalt  }
0x51: {  	_ =	shalt  }
0x52: {  	_ =	shalt  }
0x53: {  	_ =	shalt  }
0x54: {  	_ =	shalt  }
0x55: {  	_ =	shalt  }
0x56: {  	_ =	shalt  }
0x57: {  	_ =	shalt  }
0x58: {  	_ =	shalt  }
0x59: {  	_ =	shalt  }
0x5a: {  	_ =	shalt  }
0x5b: {  	_ =	shalt  }
0x5c: {  	_ =	shalt  }
0x5d: {  	_ =	shalt  }
0x5e: {  	_ =	shalt  }
0x5f: {  	_ =	shalt  }
0x60: {  	_ =	shalt  }
0x61: {  	_ =	shalt  }
0x62: {  	_ =	shalt  }
0x63: {  	_ =	shalt  }
0x64: {  	_ =	shalt  }
0x65: {  	_ =	shalt  }
0x66: {  	_ =	shalt  }
0x67: {  	_ =	shalt  }
0x68: {  	_ =	shalt  }
0x69: {  	_ =	shalt  }
0x6a: {  	_ =	shalt  }
0x6b: {  	_ =	shalt  }
0x6c: {  	_ =	shalt  }
0x6d: {  	_ =	shalt  }
0x6e: {  	_ =	shalt  }
0x6f: {  	_ =	shalt  }
0x70: {  	_ =	shalt  }
0x71: {  	_ =	shalt  }
0x72: {  	_ =	shalt  }
0x73: {  	_ =	shalt  }
0x74: {  	_ =	shalt  }
0x75: {  	_ =	shalt  }
0x76: {  	_ =	shalt  }
0x77: {  	_ =	shalt  }
0x78: {  	_ =	shalt  }
0x79: {  	_ =	shalt  }
0x7a: {  	_ =	shalt  }
0x7b: {  	_ =	shalt  }
0x7c: {  	_ =	shalt  }
0x7d: {  	_ =	shalt  }
0x7e: {  	_ =	shalt  }
0x7f: {  	_ =	shalt  }
0x80: {  	_ =	shalt  }
0x81: {  	_ =	shalt  }
0x82: {  	_ =	shalt  }
0x83: {  	_ =	shalt  }
0x84: {  	_ =	shalt  }
0x85: {  	_ =	shalt  }
0x86: {  	_ =	shalt  }
0x87: {  	_ =	shalt  }
.Lfunc_end0:
.L_simem_size_0:
called_computation.1_lowered:
.L_overlay_start_0:
0x88: {  	s2 =	sld [smem:$0x3FD9]  }
0x89: {  	s3 =	sld [smem:$0x3FFE];
	_ =	sdelay $0x1  }
0x8a: {  	s1 =	srdreg.scid  }
0x8b: {  	s0 =	sand.u32 $0x1, s1  }
0x8c: {  	s17 =	sshll.u32 s0, $0xA;
	s2 =	sadd.s32 s3, s2  }
0x8d: {  	s2 =	sadd.s32 s2, s17  }
0x8e: {  	[smem:$0x3FBA] =	sst s2  }
0x8f: {  	_ = 	snop  }
0x90: {  	s2 =	sld [smem:$0x3FC9]  }
0x91: {  	s18 =	sld [smem:$0x3FD0];
	(tm) =	ssettm $0x1  }
0x92: {  	s4 =	sld [smem:$0x3FFB];
	_ =	sdelay $0x3  }
0x93: {  	_ =	strace s4  }
0x94: {  	s4 =	sld [smem:$0x3FFC];
	_ =	sdelay $0x3  }
0x95: {  	_ =	strace s4  }
0x96: {  	s4 =	sld [smem:$0x3FFD];
	_ =	sdelay $0x3  }
0x97: {  	_ =	strace s4  }
0x98: {  	_ =	strace $0x8FFFFFFF  }
0x99: {  	s19 =	sld [smem:$0x3FDB];
	_ =	sdelay $0x1  }
0x9a: {  	s5 =	simm.s32 $_scs_section_size  }
0x9b: {  	s6 =	simm.s32 $_size__tile_overlayer_lowered;
	s7 =	simm.s32 $_tile_overlayer_lowered  }
0x9c: {  	s22 =	simm.s32 $0x1BFF;
	s21 =	sshll.u32 s7, $0x1;
	s4 =	sadd.s32 s5, s19  }
0x9d: {  	s8 =	simm.s32 $0x0;
	s20 =	sshll.u32 s6, $0x1;
	s6 =	sadd.s32 s21, s4  }
0x9e: {  	[timem:s8], [sflag:s22] =	dma.local [hbm:s6], s20  }
0x9f: {  	_ =	swait.ge [sflag:s22], s20  }
0xa0: {  	s5 =	ssub.s32 $0x0, s20;
	[sflag:s22] =	ssyncset.done $0x0  }
0xa1: {  	[sflag:s22] =	ssyncadd.s32 s5;
	_ =	sdelay $0x1  }
0xa2: {  	s23 =	simm.s32 $0x1B8B  }
0xa3: {  	_ =	swait.ge [sflag:s23], $0x1  }
0xa4: {  	[sflag:s23] =	ssyncset.done $0x0  }
0xa5: {  	s25 =	simm.s32 $0x1B8E;
	s24 =	sld [smem:$0x3FFE];
	[sflag:s23] =	ssyncadd.s32 $0xFFFFFFFF  }
0xa6: {  	s26 =	simm.s32 $execute0_lowered;
	[smem:$0x3FD2] =	sst s25  }
0xa7: {  	s6 =	sshll.u32 s26, $0x1;
	_ =	strace $0x80000046;
	[dreg:$0x1] =	wrdreg $0xFFFFFFFF  }
0xa8: {  	s28 =	simm.s32 $_size_execute0_lowered;
	s4 =	sadd.s32 s4, s6;
	[dreg:$0x0] =	wrdreg $0x0  }
0xa9: {  	s6 =	sshll.u32 s28, $0x1;
	[dreg:$0x2] =	wrdreg s4  }
0xaa: {  	[dreg:$0x3] =	wrdreg s6  }
0xab: {  	[dreg:$0x4] =	wrdreg $0xC0  }
0xac: {  	_ =	task [dreg:s8], $0x5FFFF  }
0xad: {  	[dreg:$0x1] =	wrdreg $0xFFFFFFFF  }
0xae: {  	[dreg:$0x0] =	wrdreg $0x60  }
0xaf: {  	[dreg:$0x2] =	wrdreg s2  }
0xb0: {  	[dreg:$0x3] =	wrdreg s24  }
0xb1: {  	[dreg:$0x4] =	wrdreg s18  }
0xb2: {  	[dreg:$0x5] =	wrdreg $0x90000  }
0xb3: {  	[dreg:$0x6] =	wrdreg $0x9  }
0xb4: {  	_ =	task.clear_ibuf [dreg:s8], $0x7FFFF;
	_ =	strace $0x90000046  }
0xb5: {  	s29 =	simm.s32 $0x9;
	_ =	strace $0x80000048  }
0xb6: {  	_ =	swait.ge [sflag:s29], $0x1  }
0xb7: {  	[sflag:s29] =	ssyncadd.s32 $0xFFFFFFFF  }
0xb8: {  	_ =	strace $0x90000048  }
0xb9: {  	_ =	sfence  }
0xba: {  	s30 =	sld [smem:$0x0];
	_ =	sdelay $0x2  }
0xbb: {  	s31 =	sshll.u32 s1, $0xD;
	s1 =	sshrl.u32 s1, $0x2  }
0xbc: {  	s3 =	sand.u32 $0x4000, s31;
	s1 =	sadd.s32 s1, s30  }
0xbd: {  	s0 =	sor.u32 s3, s0;
	s1 =	sshll.u32 s1, $0x11  }
0xbe: {  	s0 =	sor.u32 s1, s0  }
0xbf: {  	s0 =	sadd.s32 $0x8F2B, s0  }
0xc0: {  	[sflag:s0] =	ssyncadd.remote.s32 $0x1  }
0xc1: {  	_ =	sfence.sel $0xFFFF  }
0xc2: {  	[dreg:$0x0] =	wrdreg $0xFFFFFFFF;
	(pc) =	sbr.abs _section_cstart, $3  }
0xc3: {  	[dreg:$0x1] =	wrdreg $0xFFFFFFFF  }
0xc4: {  	_ =	task.clear_ibuf [dreg:s8], $0x2FFFF;
	_ =	strace $0x9FFFFFFF  }
0xc5: {  	(tm) =	ssettm $0x7FFFFFFF  }
tec
execute0_lowered:
.L_overlay_start_1:
0x0: {  	(tag) =	ssettag $0x1  }
0x1: {  	s0 =	rddreg [dreg:$0x0]  }
0x2: {  	s6 =	rddreg [dreg:$0x1]  }
0x3: {  	s1 =	srdreg.scid;
	s3 =	rddreg [dreg:$0x2]  }
0x4: {  	s4 =	rddreg [dreg:$0x3];
	s5 =	simm.s32 $0x0;
	s16 =	simm.s32 $0x5000  }
0x5: {  	s17 =	simm.s32 $0x2;
	s7 =	sand.u32 $0x1, s1;
	s1 =	stileid.u32  }
0x6: {  	s18 =	simm.s32 $0x3;
	s22 =	simm.s32 $0x0;
	s11 =	smul.u32 $0x4F000, s1  }
0x7: {  	[smem:$0x7FF] =	sst s5;
	s10 =	sadd.s32 $0x17C00, s6;
	s28 =	smul.u32 $0x138800, s7  }
0x8: {  	s19 =	sadd.s32 $0x12C000, s4;
	s2 =	sshll.u32 s7, $0x4;
	s30 =	smul.u32 $0x14000, s1  }
0x9: {  	s9 =	ssub.s32 $0x2, s7;
	s31 =	sshll.u32 s1, $0x6;
	s14 =	smul.u32 $0x50000, s1  }
0xa: {  	p0 =	seq.s32 s1, $0xF;
	s8 =	sor.u32 s1, s2;
	s2 =	rddreg [dreg:$0x4]  }
0xb: {  	_ =	strace $0x80000047;
	s26 =	sshrl.u32 s9, $0x1;
	s19 =	sshrl.u32 @p0 s19, $0x3  }
0xc: {  	s20 =	sshll.u32 @!p0 s1, $0x6;
	s8 =	smul.u32 $0x500, s8;
	s12 =	ssub.s32 s9, s26  }
0xd: {  	s29 =	sshrl.u32 s11, $0x2;
	s11 =	sadd.s32 s30, s28;
	s9 =	sshrl.u32 s28, $0x3  }
0xe: {  	s14 =	sshrl.u32 s14, $0x2;
	s20 =	sor.u32 @!p0 $0x1C04, s20;
	s13 =	sadd.s32 s29, s4  }
0xf: {  	s11 =	sshrl.u32 s11, $0x3;
	s15 =	sadd.s32 s10, s9;
	s21 =	sadd.s32 s14, s4  }
0x10: {  	s14 =	simm.s32 $0x1;
	s8 =	sadd.s32 s8, s6;
	s9 =	sadd.s32 s10, s11  }
0x11: {  	s10 =	sadd.s32 $0x25800, s15;
	s11 =	smax.u32 s12, $0x1;
	s12 =	simm.s32 $0x2800  }
0x12: {  	s13 =	sshrl.u32 s13, $0x3;
	s15 =	simm.s32 $0x80;
	s21 =	sshrl.u32 @!p0 s21, $0x3  }
0x13: {  	s6 =	sadd.s32 $0x3C00, s8;
	s7 =	sadd.s32 $0xDC00, s8;
	s8 =	sor.u32 $0x1C01, s31  }
.LBB2_1:
0x14: {  	[tilespmem:s5], [sflag:$0x1] =	stream.linear.gather [hbm4b:s6+s5], $0x2800, $0x38;
	[tilespmem:$0x1CC00] =	vst v63  }
0x15: {  	_ = 	snop  }
0x16: {  	[tilespmem:s12], [sflag:$0x1] =	stream.linear.gather [hbm4b:s7+s5], $0x2800, $0x38;
	[tilespmem:$0x1CC00] =	vst v63  }
0x17: {  	[spmem:s13], [sflag:s8] =	dma.local [hbm:s3], $0x2780  }
0x18: {  	_ =	swait.ge [sflag:s14], $0x2800  }
0x19: {  	[sflag:s14] =	ssyncset.done $0x0  }
0x1a: {  	[sflag:s14] =	ssyncadd.s32 $0xFFFFD800  }
0x1b: {  	_ =	swait.ge [sflag:s14], $0x2800  }
0x1c: {  	[sflag:s14] =	ssyncset.done $0x0  }
0x1d: {  	[sflag:s14] =	ssyncadd.s32 $0xFFFFD800  }
0x1e: {  	_ =	swait.ge [sflag:s14], $0x2780  }
0x1f: {  	[sflag:s14] =	ssyncset.done $0x0  }
0x20: {  	[sflag:s14] =	ssyncadd.s32 $0xFFFFD880  }
0x21: {  	s23 =	simm.s32 $0x0;
	[bflag:$0x0] =	sbarrier.arrive $0xFFFF  }
0x22: {  	[tilespmem:s16], [sflag:$0x2] =	stream.indirect.gather [hbm4b:s0+s15], $0x80, s23, s15, $0xb8;
	[tilespmem:$0x1CC00] =	vst v63  }
0x23: {  	_ =	swait.ge [sflag:s17], $0x4000  }
0x24: {  	[sflag:s17] =	ssyncset.done $0x0  }
0x25: {  	s31 =	simm.s32 $0x2800;
	[sflag:s17] =	ssyncadd.s32 $0xFFFFC000  }
0x26: {  	[spmem:s4] =	stream.indirect.scatter.add.f32 [tilespmem:s16], [sflag:$0x3], $0x80, s31, s15, $0xb8;
	[tilespmem:$0x1CC00] =	vst v63  }
0x27: {  	_ =	swait.ge [sflag:s18], $0x4000  }
0x28: {  	s24 =	simm.s32 $0x400;
	s23 =	simm.s32 $0x200;
	[sflag:s18] =	ssyncset.done $0x0  }
.LBB2_2:
0x29: {  	s25 =	sshra.s32 s23, $0x2  }
0x2a: {  	[sflag:s18] =	ssyncadd.s32 $0xFFFFC000;
	s23 =	smov.u32 s24;
	s26 =	sadd.s32 $0x200, s24  }
0x2b: {  	[tilespmem:s16], [sflag:$0x2] =	stream.indirect.gather [hbm4b:s0+s15], $0x80, s25, s15, $0xb8;
	[tilespmem:$0x1CC00] =	vst v63  }
0x2c: {  	p1 =	sne.s32 s24, $0x9E00;
	_ =	swait.ge [sflag:s17], $0x4000  }
.Ltmp0:
0x2d: {  	[sflag:s17] =	ssyncset.done $0x0;
	(pc) =	sbr.rel @p1 .LBB2_2-.Ltmp0, $4  }
0x2e: {  	s24 =	sadd.s32 $0x2800, s25;
	[sflag:s17] =	ssyncadd.s32 $0xFFFFC000  }
0x2f: {  	[spmem:s4] =	stream.indirect.scatter.add.f32 [tilespmem:s16], [sflag:$0x3], $0x80, s24, s15, $0xb8;
	[tilespmem:$0x1CC00] =	vst v63  }
0x30: {  	_ =	swait.ge [sflag:s18], $0x4000  }
0x31: {  	s24 =	smov.u32 s26;
	[sflag:s18] =	ssyncset.done $0x0  }
0x32: {  	s23 =	sshra.s32 s23, $0x2;
	[sflag:s18] =	ssyncadd.s32 $0xFFFFC000  }
0x33: {  	[tilespmem:s16], [sflag:$0x2] =	stream.indirect.gather [hbm4b:s0+s15], $0x80, s23, s15, $0xb8;
	[tilespmem:$0x1CC00] =	vst v63  }
0x34: {  	_ =	swait.ge [sflag:s17], $0x4000  }
0x35: {  	[sflag:s17] =	ssyncset.done $0x0  }
0x36: {  	s23 =	sadd.s32 $0x2800, s23;
	[sflag:s17] =	ssyncadd.s32 $0xFFFFC000  }
0x37: {  	[spmem:s4] =	stream.indirect.scatter.add.f32 [tilespmem:s16], [sflag:$0x3], $0x80, s23, s15, $0xb8;
	[tilespmem:$0x1CC00] =	vst v63  }
0x38: {  	_ =	swait.ge [sflag:s18], $0x4000  }
0x39: {  	[sflag:s18] =	ssyncset.done $0x0  }
0x3a: {  	[sflag:s18] =	ssyncadd.s32 $0xFFFFC000  }
0x3b: {  	s23 =	simm.s32 @p0 $0x1FC4;
	[bflag:$0x0] =	sbarrier.arrive $0xFFFF  }
0x3c: {  	[hbm:s10], [sflag:s23] =	dma.local @p0 [spmem:s19], $0x1900  }
0x3d: {  	s23 =	simm.s32 @p0 $0x4  }
0x3e: {  	s22 =	sadd.s32 $0x1, s22;
	_ =	swait.ge @p0 [sflag:s23], $0x1900  }
0x3f: {  	p1 =	sne.s32 s22, s11;
	[sflag:s23] =	ssyncset.done @p0 $0x0  }
.Ltmp1:
0x40: {  	[sflag:s23] =	ssyncadd.s32 @p0 $0xFFFFE700;
	s23 =	simm.s32 @!p0 $0x4;
	(pc) =	sbr.rel @p1 .LBB2_1-.Ltmp1, $4  }
0x41: {  	[hbm:s9], [sflag:s20] =	dma.local @!p0 [spmem:s21], $0x2800  }
0x42: {  	_ =	swait.ge @!p0 [sflag:s23], $0x2800  }
0x43: {  	[sflag:s23] =	ssyncset.done @!p0 $0x0  }
0x44: {  	[sflag:s23] =	ssyncadd.s32 @!p0 $0xFFFFD800  }
0x45: {  	_ =	sfence.sel $0x180000  }
0x46: {  	[bflag:$0x0] =	sbarrier.arrive $0xFFFF  }
0x47: {  	p0 =	sne.s32 s1, $0x0;
	_ =	strace $0x90000047  }
0x48: {  	s0 =	sadd.s32 @!p0 $0x100000, s2;
	[bflag:$0x2] =	sbarrier.arrive $0xFFFF  }
0x49: {  	[sflag:s0] =	ssyncadd.tile.s32 @!p0 $0x1;
	_ =	shalt  }
.Lfunc_end2:
_tile_overlayer_lowered:
.L_overlay_start_2:
0x4a: {  	(tag) =	ssettag $0x2  }
0x4b: {  	s0 =	rddreg [dreg:$0x0];
	s2 =	stileid.u32  }
0x4c: {  	s1 =	rddreg [dreg:$0x1];
	p0 =	sne.s32 s2, $0x0  }
0x4d: {  	s3 =	rddreg [dreg:$0x2];
	[bflag:$0x3] =	sbarrier.arrive $0xFFFF;
	s2 =	simm.s32 @!p0 $0x1C04  }
0x4e: {  	[timem:s3], [sflag:s2] =	dma.local @!p0 [hbm:s0], s1  }
0x4f: {  	s0 =	simm.s32 @!p0 $0x4  }
0x50: {  	_ =	swait.ge @!p0 [sflag:s0], s1  }
0x51: {  	s1 =	ssub.s32 @!p0 $0x0, s1;
	[sflag:s0] =	ssyncset.done @!p0 $0x0  }
0x52: {  	[sflag:s0] =	ssyncadd.s32 @!p0 s1  }
0x53: {  	[bflag:$0x3] =	sbarrier.arrive $0xFFFF  }
0x54: {  	_ =	shalt  }

// kernel: kernel.9.cloned.1.call-start
scs
__scs_entry_jumppad:
0x0: {  	(pc) =	sbr.rel $0x88, $3  }
0x1: {  	(tag) =	ssettag $0x0;
	lr =	simm.s32 $0x1  }
0x2: {  	[smem:$0x3F93] =	sst lr;
	_ =	strace $0xD0000000  }
0x3: {  	_ = 	snop  }
0x4: {  	_ = 	snop  }
0x5: {  	_ = 	snop  }
0x6: {  	_ = 	snop  }
0x7: {  	_ = 	snop  }
__scs_overlays_trampoline_lowered:
0x8: {  	[smem:$0x3FA2] =	sst s0  }
0x9: {  	[smem:$0x3FA3] =	sst s1  }
0xa: {  	[smem:$0x3FA4] =	sst s2  }
0xb: {  	[smem:$0x3FA5] =	sst s3  }
0xc: {  	[smem:$0x3FA6] =	sst s4  }
0xd: {  	[smem:$0x3FA7] =	sst s5  }
0xe: {  	[smem:$0x3FA8] =	sst s6  }
0xf: {  	[smem:$0x3FA9] =	sst s7  }
0x10: {  	[smem:$0x3FAA] =	sst s8  }
0x11: {  	[smem:$0x3FAB] =	sst s9;
	s0 =	simm.s32 @!p0 $0x0  }
0x12: {  	s1 =	sld [smem:$0x3F91];
	s0 =	simm.s32 @p0 $0x1  }
0x13: {  	[smem:$0x3FAC] =	sst s0;
	s0 =	simm.s32 @!p1 $0x0  }
0x14: {  	s2 =	sld [smem:$0x3F90];
	s0 =	simm.s32 @p1 $0x1  }
0x15: {  	[smem:$0x3FAD] =	sst s0;
	s0 =	simm.s32 @!p2 $0x0  }
0x16: {  	s3 =	sld [smem:$0x3FDB];
	s0 =	simm.s32 @p2 $0x1  }
0x17: {  	s4 =	simm.s32 $0x1BF5;
	[smem:$0x3FAF] =	sst s0  }
0x18: {  	s0 =	sld [smem:$0x3F92];
	_ =	swait.ge [sflag:s4], $0x0  }
0x19: {  	s7 =	sld [smem:$0x3F93]  }
0x1a: {  	s8 =	sadd.s32 $0xFFFFE003, lr  }
0x1b: {  	s9 =	sadd.s32 $0xFFFFFEF7, lr;
	s5 =	simm.s32 $0xFFFFFFFF;
	p2 =	slt.u32 s8, $0xFFFFF086  }
0x1c: {  	p1 =	slt.u32 s9, $0xF7A;
	s5 =	simm.s32 @!p2 $0x0  }
0x1d: {  	s5 =	simm.s32 @p1 $0x1;
	p0 =	seq.s32 s7, s2  }
0x1e: {  	s7 =	smul.u32 @!p0 $0xF7A, s2;
	p2 =	seq.s32 @!p0 s5, $0x0  }
0x1f: {  	s9 =	smul.u32 $0xF7A, s1;
	s8 =	simm.s32 @!p0 $0x1BF5;
	p2 =	por !p2, p0  }
0x20: {  	[sflag:s8] =	ssyncset.s32 @!p0 $0xFFFFF086;
	s6 =	sadd.s32 @!p0 s3, s7;
	s7 =	simm.s32 @!p0 $0x108  }
0x21: {  	s3 =	sadd.s32 s3, s9;
	s6 =	sadd.s32 @!p0 $0x88, s6;
	s7 =	simm.s32 @p2 $0x1082  }
0x22: {  	[simem:s7], [sflag:s8] =	dma.local @!p0 [hbm:s6], $0xF7A  }
0x23: {  	s9 =	sor.u32 $0xD0000000, s2;
	s6 =	simm.s32 $0x108;
	_ =	swait.ge @!p0 [sflag:s8], $0x0  }
0x24: {  	s3 =	sadd.s32 $0x88, s3;
	s6 =	simm.s32 @!p1 $0x1082;
	[sflag:s4] =	ssyncset.s32 $0xFFFFF086  }
0x25: {  	[simem:s6], [sflag:s4] =	dma.local [hbm:s3], $0xF7A  }
0x26: {  	[smem:$0x3F93] =	sst s1;
	(tag) =	ssettag s2;
	_ =	strace s9  }
0x27: {  	s1 =	sld [smem:$0x3FA3]  }
0x28: {  	s2 =	sld [smem:$0x3FA4]  }
0x29: {  	s4 =	sld [smem:$0x3FA6]  }
0x2a: {  	p0 =	seq.s32 s5, $0x0;
	s5 =	sld [smem:$0x3FA7]  }
0x2b: {  	s6 =	sld [smem:$0x3FA8]  }
0x2c: {  	s7 =	sld [smem:$0x3FA9]  }
0x2d: {  	s3 =	simm.s32 $0x108;
	s8 =	sld [smem:$0x3FAA]  }
0x2e: {  	s3 =	simm.s32 @!p0 $0x1082;
	s9 =	sld [smem:$0x3FAB]  }
0x2f: {  	lr =	sadd.s32 s0, s3;
	s0 =	sld [smem:$0x3FA2]  }
0x30: {  	s3 =	sld [smem:$0x3FA5]  }
0x31: {  	[smem:$0x3FAE] =	sst s10  }
0x32: {  	s10 =	sld [smem:$0x3FAC];
	_ =	sdelay $0x3  }
0x33: {  	p0 =	seq.s32 s10, $0x1;
	s10 =	sld [smem:$0x3FAE];
	_ =	sdelay $0x3  }
0x34: {  	[smem:$0x3FAE] =	sst s10  }
0x35: {  	s10 =	sld [smem:$0x3FAD];
	_ =	sdelay $0x3  }
0x36: {  	p1 =	seq.s32 s10, $0x1;
	s10 =	sld [smem:$0x3FAE];
	_ =	sdelay $0x3  }
0x37: {  	[smem:$0x3FAE] =	sst s10  }
0x38: {  	s10 =	sld [smem:$0x3FAF]  }
0x39: {  	_ = 	snop;
	(pc) =	sbr.ind lr, $3  }
0x3a: {  	_ = 	snop  }
0x3b: {  	_ = 	snop  }
0x3c: {  	p2 =	seq.s32 s10, $0x1;
	s10 =	sld [smem:$0x3FAE]  }
0x3d: {  	_ =	shalt  }
0x3e: {  	_ =	shalt  }
0x3f: {  	_ =	shalt  }
0x40: {  	_ =	shalt  }
0x41: {  	_ =	shalt  }
0x42: {  	_ =	shalt  }
0x43: {  	_ =	shalt  }
0x44: {  	_ =	shalt  }
0x45: {  	_ =	shalt  }
0x46: {  	_ =	shalt  }
0x47: {  	_ =	shalt  }
0x48: {  	_ =	shalt  }
0x49: {  	_ =	shalt  }
0x4a: {  	_ =	shalt  }
0x4b: {  	_ =	shalt  }
0x4c: {  	_ =	shalt  }
0x4d: {  	_ =	shalt  }
0x4e: {  	_ =	shalt  }
0x4f: {  	_ =	shalt  }
0x50: {  	_ =	shalt  }
0x51: {  	_ =	shalt  }
0x52: {  	_ =	shalt  }
0x53: {  	_ =	shalt  }
0x54: {  	_ =	shalt  }
0x55: {  	_ =	shalt  }
0x56: {  	_ =	shalt  }
0x57: {  	_ =	shalt  }
0x58: {  	_ =	shalt  }
0x59: {  	_ =	shalt  }
0x5a: {  	_ =	shalt  }
0x5b: {  	_ =	shalt  }
0x5c: {  	_ =	shalt  }
0x5d: {  	_ =	shalt  }
0x5e: {  	_ =	shalt  }
0x5f: {  	_ =	shalt  }
0x60: {  	_ =	shalt  }
0x61: {  	_ =	shalt  }
0x62: {  	_ =	shalt  }
0x63: {  	_ =	shalt  }
0x64: {  	_ =	shalt  }
0x65: {  	_ =	shalt  }
0x66: {  	_ =	shalt  }
0x67: {  	_ =	shalt  }
0x68: {  	_ =	shalt  }
0x69: {  	_ =	shalt  }
0x6a: {  	_ =	shalt  }
0x6b: {  	_ =	shalt  }
0x6c: {  	_ =	shalt  }
0x6d: {  	_ =	shalt  }
0x6e: {  	_ =	shalt  }
0x6f: {  	_ =	shalt  }
0x70: {  	_ =	shalt  }
0x71: {  	_ =	shalt  }
0x72: {  	_ =	shalt  }
0x73: {  	_ =	shalt  }
0x74: {  	_ =	shalt  }
0x75: {  	_ =	shalt  }
0x76: {  	_ =	shalt  }
0x77: {  	_ =	shalt  }
0x78: {  	_ =	shalt  }
0x79: {  	_ =	shalt  }
0x7a: {  	_ =	shalt  }
0x7b: {  	_ =	shalt  }
0x7c: {  	_ =	shalt  }
0x7d: {  	_ =	shalt  }
0x7e: {  	_ =	shalt  }
0x7f: {  	_ =	shalt  }
0x80: {  	_ =	shalt  }
0x81: {  	_ =	shalt  }
0x82: {  	_ =	shalt  }
0x83: {  	_ =	shalt  }
0x84: {  	_ =	shalt  }
0x85: {  	_ =	shalt  }
0x86: {  	_ =	shalt  }
0x87: {  	_ =	shalt  }
.Lfunc_end0:
.L_simem_size_0:
called_computation.2_lowered:
.L_overlay_start_0:
0x88: {  	s2 =	sld [smem:$0x3FD9]  }
0x89: {  	s3 =	sld [smem:$0x3FFE];
	_ =	sdelay $0x1  }
0x8a: {  	s1 =	srdreg.scid  }
0x8b: {  	s0 =	sand.u32 $0x1, s1  }
0x8c: {  	s17 =	sshll.u32 s0, $0xA;
	s2 =	sadd.s32 s3, s2  }
0x8d: {  	s2 =	sadd.s32 s2, s17  }
0x8e: {  	[smem:$0x3FBA] =	sst s2  }
0x8f: {  	_ = 	snop  }
0x90: {  	s18 =	sld [smem:$0x3FD0];
	(tm) =	ssettm $0x1  }
0x91: {  	s19 =	sld [smem:$0x3FFB];
	_ =	sdelay $0x3  }
0x92: {  	_ =	strace s19  }
0x93: {  	s2 =	sld [smem:$0x3FFC];
	_ =	sdelay $0x3  }
0x94: {  	_ =	strace s2  }
0x95: {  	s2 =	sld [smem:$0x3FFD];
	_ =	sdelay $0x3  }
0x96: {  	_ =	strace s2  }
0x97: {  	_ =	strace $0x8FFFFFFF  }
0x98: {  	s20 =	sld [smem:$0x3FDB];
	_ =	sdelay $0x1  }
0x99: {  	s4 =	simm.s32 $_scs_section_size  }
0x9a: {  	s5 =	simm.s32 $_size__tile_overlayer_lowered;
	s6 =	simm.s32 $_tile_overlayer_lowered  }
0x9b: {  	s7 =	simm.s32 $0x1BFF;
	s21 =	sshll.u32 s6, $0x1;
	s4 =	sadd.s32 s4, s20  }
0x9c: {  	s22 =	simm.s32 $0x0;
	s5 =	sshll.u32 s5, $0x1;
	s6 =	sadd.s32 s21, s4  }
0x9d: {  	[timem:s22], [sflag:s7] =	dma.local [hbm:s6], s5  }
0x9e: {  	_ =	swait.ge [sflag:s7], s5  }
0x9f: {  	s5 =	ssub.s32 $0x0, s5;
	[sflag:s7] =	ssyncset.done $0x0  }
0xa0: {  	[sflag:s7] =	ssyncadd.s32 s5;
	_ =	sdelay $0x1  }
0xa1: {  	s23 =	simm.s32 $0x1B8B  }
0xa2: {  	_ =	swait.ge [sflag:s23], $0x1  }
0xa3: {  	[sflag:s23] =	ssyncset.done $0x0  }
0xa4: {  	[sflag:s23] =	ssyncadd.s32 $0xFFFFFFFF  }
0xa5: {  	s5 =	sld [smem:$0x0]  }
0xa6: {  	s6 =	sand.u32 $0xFFFFFFFE, s1  }
0xa7: {  	p0 =	sne.s32 s1, s6  }
0xa8: {  	s6 =	sshll.u32 @p0 s6, $0xE  }
0xa9: {  	s6 =	sadd.s32 @p0 $0x11B8D, s6;
	s7 =	sshll.u32 @p0 s5, $0x11  }
0xaa: {  	s6 =	sor.u32 @p0 s7, s6  }
0xab: {  	[sflag:s6] =	ssyncadd.remote.s32 @p0 $0x1;
	_ =	sdelay $0x1  }
0xac: {  	s6 =	simm.s32 @p0 $0x1B8D  }
0xad: {  	_ =	swait.eq @p0 [sflag:s6], $0x1  }
0xae: {  	[sflag:s6] =	ssyncadd.s32 @p0 $0xFFFFFFFF  }
0xaf: {  	s7 =	sshll.u32 @!p0 s1, $0xE  }
0xb0: {  	s7 =	sor.u32 @!p0 $0x4000, s7;
	s6 =	simm.s32 @!p0 $0x1B8D  }
0xb1: {  	s5 =	sshll.u32 @!p0 s5, $0x11;
	s7 =	sadd.s32 @!p0 $0x11B8D, s7;
	_ =	swait.eq @!p0 [sflag:s6], $0x1  }
0xb2: {  	s5 =	sor.u32 @!p0 s5, s7;
	[sflag:s6] =	ssyncadd.s32 @!p0 $0xFFFFFFFF  }
0xb3: {  	s25 =	simm.s32 $0x1B8E;
	s24 =	sld [smem:$0x3FFE];
	[sflag:s5] =	ssyncadd.remote.s32 @!p0 $0x1  }
0xb4: {  	s26 =	simm.s32 $execute0_lowered;
	[smem:$0x3FD2] =	sst s25  }
0xb5: {  	s6 =	sshll.u32 s26, $0x1;
	_ =	strace $0x80000049;
	[dreg:$0x1] =	wrdreg $0xFFFFFFFF  }
0xb6: {  	s28 =	simm.s32 $_size_execute0_lowered;
	s4 =	sadd.s32 s4, s6;
	[dreg:$0x0] =	wrdreg $0x0  }
0xb7: {  	s6 =	sshll.u32 s28, $0x1;
	[dreg:$0x2] =	wrdreg s4  }
0xb8: {  	[dreg:$0x3] =	wrdreg s6  }
0xb9: {  	[dreg:$0x4] =	wrdreg $0xC0  }
0xba: {  	_ =	task [dreg:s22], $0x5FFFF  }
0xbb: {  	[dreg:$0x1] =	wrdreg $0xFFFFFFFF  }
0xbc: {  	[dreg:$0x0] =	wrdreg $0x60  }
0xbd: {  	[dreg:$0x2] =	wrdreg s24  }
0xbe: {  	[dreg:$0x3] =	wrdreg s18  }
0xbf: {  	[dreg:$0x4] =	wrdreg $0xB4000  }
0xc0: {  	[dreg:$0x5] =	wrdreg $0xA  }
0xc1: {  	_ =	task.clear_ibuf [dreg:s22], $0x6FFFF;
	_ =	strace $0x90000049  }
0xc2: {  	s29 =	simm.s32 $0xA;
	_ =	strace $0x8000004B  }
0xc3: {  	_ =	swait.ge [sflag:s29], $0x1  }
0xc4: {  	[sflag:s29] =	ssyncadd.s32 $0xFFFFFFFF  }
0xc5: {  	_ =	strace $0x9000004B  }
0xc6: {  	_ =	sfence  }
0xc7: {  	s30 =	sld [smem:$0x0];
	_ =	sdelay $0x2  }
0xc8: {  	s31 =	sshll.u32 s1, $0xD;
	s1 =	sshrl.u32 s1, $0x2  }
0xc9: {  	s4 =	sand.u32 $0x4000, s31;
	s1 =	sadd.s32 s1, s30  }
0xca: {  	s0 =	sor.u32 s4, s0;
	s1 =	sshll.u32 s1, $0x11  }
0xcb: {  	s0 =	sor.u32 s1, s0  }
0xcc: {  	s0 =	sadd.s32 $0x8F2B, s0  }
0xcd: {  	[sflag:s0] =	ssyncadd.remote.s32 $0x1  }
0xce: {  	_ =	sfence.sel $0xFFFF  }
0xcf: {  	[dreg:$0x0] =	wrdreg $0xFFFFFFFF;
	(pc) =	sbr.abs _section_cstart, $3  }
0xd0: {  	[dreg:$0x1] =	wrdreg $0xFFFFFFFF  }
0xd1: {  	_ =	task.clear_ibuf [dreg:s22], $0x2FFFF;
	_ =	strace $0x9FFFFFFF  }
0xd2: {  	(tm) =	ssettm $0x7FFFFFFF  }
0xd3: {  	_ =	shalt  }
tec
execute0_lowered:
.L_overlay_start_1:
0x0: {  	(tag) =	ssettag $0x1  }
0x1: {  	s0 =	rddreg [dreg:$0x0]  }
0x2: {  	s1 =	srdreg.scid;
	s3 =	rddreg [dreg:$0x2]  }
0x3: {  	s23 =	stileid.u32;
	s4 =	simm.s32 $0x0;
	s29 =	simm.s32 $0x3  }
0x4: {  	s30 =	simm.s32 $0x100;
	s31 =	simm.s32 $0x5080;
	s7 =	smul.u32 $0x4F000, s23  }
0x5: {  	s1 =	sand.u32 $0x1, s1;
	[smem:$0x7FF] =	sst s4;
	s12 =	smul.u32 $0x14000, s23  }
0x6: {  	s17 =	sadd.s32 $0x547E00, s0;
	s20 =	sshll.u32 s23, $0x6;
	s21 =	smul.u32 $0x50000, s23  }
0x7: {  	s26 =	smul.u32 $0x144000, s23;
	s24 =	sadd.s32 $0x12C000, s3;
	p0 =	seq.s32 s23, $0xF  }
0x8: {  	s2 =	sshll.u32 s1, $0x4;
	_ =	strace $0x8000004A;
	s10 =	smul.u32 $0x138800, s1  }
0x9: {  	s6 =	ssub.s32 $0x2, s1;
	s1 =	smul.u32 $0x1440000, s1;
	s24 =	sshrl.u32 @p0 s24, $0x3  }
0xa: {  	s2 =	sor.u32 s23, s2;
	s8 =	sshrl.u32 s6, $0x1;
	s19 =	sshrl.u32 s7, $0x2  }
0xb: {  	s7 =	sor.u32 $0x1C01, s20;
	s13 =	sshrl.u32 s21, $0x2;
	s20 =	simm.s32 $0x5400  }
0xc: {  	s21 =	simm.s32 $0x7400;
	s23 =	simm.s32 $0x40;
	s5 =	smul.u32 $0xA80, s2  }
0xd: {  	s9 =	smul.u32 $0x28800, s2;
	s11 =	ssub.s32 s6, s8;
	s18 =	sadd.s32 s19, s3  }
0xe: {  	s12 =	sadd.s32 s12, s10;
	s2 =	smul.u32 $0x144000, s2;
	s25 =	sadd.s32 s13, s3  }
0xf: {  	s10 =	sshrl.u32 s10, $0x3;
	s28 =	sadd.s32 s26, s1;
	s19 =	simm.s32 $0x1  }
0x10: {  	s26 =	simm.s32 $0x9400;
	s12 =	sshrl.u32 s12, $0x3;
	s11 =	smax.u32 s11, $0x1  }
0x11: {  	s1 =	sadd.s32 $0xE000, s28;
	s18 =	sshrl.u32 s18, $0x3;
	s25 =	sshrl.u32 @!p0 s25, $0x3  }
0x12: {  	s5 =	sadd.s32 s5, s0;
	s0 =	sadd.s32 $0x7AE00, s0;
	s6 =	sadd.s32 s17, s9  }
0x13: {  	s2 =	sshrl.u32 s2, $0x3;
	s1 =	sshrl.u32 s1, $0x3;
	s5 =	sadd.s32 $0x65E00, s5  }
0x14: {  	s8 =	sadd.s32 $0x400, s6;
	s9 =	sadd.s32 s0, s12;
	s0 =	sadd.s32 s0, s10  }
.Ltmp0:
0x15: {  	s22 =	sadd.s32 s17, s2;
	s2 =	sadd.s32 $0xC000, s28;
	(pc) =	sbr.rel .LBB2_1-.Ltmp0, $4  }
0x16: {  	s15 =	sadd.s32 s1, s17;
	s10 =	sadd.s32 $0x25800, s0;
	s12 =	sadd.s32 $0x800, s22  }
0x17: {  	s13 =	sadd.s32 $0xC00, s22;
	s14 =	sadd.s32 $0x1000, s22;
	s0 =	sadd.s32 $0xA000, s28  }
0x18: {  	s2 =	sshrl.u32 s2, $0x3;
	s22 =	simm.s32 $0x2;
	s0 =	sshrl.u32 s0, $0x3  }
0x19: {  	s16 =	sadd.s32 s2, s17;
	s17 =	sadd.s32 s0, s17;
	s0 =	simm.s32 $0x0  }
.LBB2_4:
0x1a: {  	_ =	swait.ge [sflag:s22], $0x2000  }
0x1b: {  	[sflag:s22] =	ssyncset.done $0x0  }
0x1c: {  	[sflag:s22] =	ssyncadd.s32 $0xFFFFE000  }
0x1d: {  	[spmem:s3] =	stream.indirect.scatter.add.f32 [tilespmem:s26], [sflag:$0x3], $0x80, s31, s23, $0xb8;
	[tilespmem:$0x1F000] =	vst v63  }
0x1e: {  	_ =	swait.ge [sflag:s29], $0x2000  }
0x1f: {  	[sflag:s29] =	ssyncset.done $0x0  }
0x20: {  	[sflag:s29] =	ssyncadd.s32 $0xFFFFE000  }
0x21: {  	_ =	swait.ge [sflag:s29], $0x2000  }
0x22: {  	[sflag:s29] =	ssyncset.done $0x0  }
0x23: {  	[sflag:s29] =	ssyncadd.s32 $0xFFFFE000  }
0x24: {  	s1 =	simm.s32 @p0 $0x1FC4;
	[bflag:$0x0] =	sbarrier.arrive $0xFFFF  }
0x25: {  	[hbm:s10], [sflag:s1] =	dma.local @p0 [spmem:s24], $0x1900  }
0x26: {  	s1 =	simm.s32 @p0 $0x4  }
0x27: {  	s2 =	stileid.u32;
	_ =	swait.ge @p0 [sflag:s1], $0x1900  }
0x28: {  	s0 =	sadd.s32 $0x1, s0;
	s2 =	sshll.u32 @!p0 s2, $0x6;
	[sflag:s1] =	ssyncset.done @p0 $0x0  }
0x29: {  	p1 =	sne.s32 s0, s11;
	[sflag:s1] =	ssyncadd.s32 @p0 $0xFFFFE700;
	s1 =	sor.u32 @!p0 $0x1C04, s2  }
0x2a: {  	[hbm:s9], [sflag:s1] =	dma.local @!p0 [spmem:s25], $0x2800  }
.Ltmp1:
0x2b: {  	_ = 	snop;
	(pc) =	sbr.rel @!p1 .LBB2_5-.Ltmp1, $4  }
0x2c: {  	s1 =	simm.s32 @!p0 $0x4  }
0x2d: {  	_ =	swait.ge @!p0 [sflag:s1], $0x2800  }
0x2e: {  	[sflag:s1] =	ssyncset.done @!p0 $0x0  }
0x2f: {  	[sflag:s1] =	ssyncadd.s32 @!p0 $0xFFFFD800  }
.LBB2_1:
0x30: {  	[tilespmem:s4], [sflag:$0x1] =	stream.linear.gather [hbm4b:s5+s4], $0x5100, $0x38;
	[tilespmem:$0x1F000] =	vst v63  }
0x31: {  	s1 =	rddreg [dreg:$0x1]  }
0x32: {  	[spmem:s18], [sflag:s7] =	dma.local [hbm:s1], $0x2780  }
0x33: {  	_ =	swait.ge [sflag:s19], $0x5100  }
0x34: {  	[sflag:s19] =	ssyncset.done $0x0  }
0x35: {  	[sflag:s19] =	ssyncadd.s32 $0xFFFFAF00  }
0x36: {  	[tilespmem:s20], [sflag:$0x2] =	stream.linear.gather [hbm4b:s6+s4], $0x2000, $0x38;
	[tilespmem:$0x1F000] =	vst v63  }
0x37: {  	_ = 	snop  }
0x38: {  	[tilespmem:s21], [sflag:$0x2] =	stream.linear.gather [hbm4b:s8+s4], $0x2000, $0x38;
	[tilespmem:$0x1F000] =	vst v63  }
0x39: {  	_ =	swait.ge [sflag:s19], $0x2780  }
0x3a: {  	[sflag:s19] =	ssyncset.done $0x0  }
0x3b: {  	[sflag:s19] =	ssyncadd.s32 $0xFFFFD880  }
0x3c: {  	[bflag:$0x0] =	sbarrier.arrive $0xFFFF  }
0x3d: {  	_ =	swait.ge [sflag:s22], $0x2000  }
0x3e: {  	[sflag:s22] =	ssyncset.done $0x0  }
0x3f: {  	[sflag:s22] =	ssyncadd.s32 $0xFFFFE000  }
0x40: {  	[spmem:s3] =	stream.indirect.scatter.add.f32 [tilespmem:s20], [sflag:$0x3], $0x80, s4, s23, $0xb8;
	[tilespmem:$0x1F000] =	vst v63  }
0x41: {  	_ = 	snop  }
0x42: {  	[tilespmem:s26], [sflag:$0x2] =	stream.linear.gather [hbm4b:s12+s4], $0x2000, $0x38;
	[tilespmem:$0x1F000] =	vst v63  }
0x43: {  	_ =	swait.ge [sflag:s22], $0x2000  }
0x44: {  	[sflag:s22] =	ssyncset.done $0x0  }
0x45: {  	s28 =	simm.s32 $0x80;
	[sflag:s22] =	ssyncadd.s32 $0xFFFFE000  }
0x46: {  	[spmem:s3] =	stream.indirect.scatter.add.f32 [tilespmem:s21], [sflag:$0x3], $0x80, s28, s23, $0xb8;
	[tilespmem:$0x1F000] =	vst v63  }
0x47: {  	_ =	swait.ge [sflag:s29], $0x2000  }
0x48: {  	[sflag:s29] =	ssyncset.done $0x0  }
0x49: {  	[sflag:s29] =	ssyncadd.s32 $0xFFFFE000  }
0x4a: {  	[tilespmem:s20], [sflag:$0x2] =	stream.linear.gather [hbm4b:s13+s4], $0x2000, $0x38;
	[tilespmem:$0x1F000] =	vst v63  }
0x4b: {  	_ =	swait.ge [sflag:s22], $0x2000  }
0x4c: {  	[sflag:s22] =	ssyncset.done $0x0  }
0x4d: {  	[sflag:s22] =	ssyncadd.s32 $0xFFFFE000  }
0x4e: {  	[spmem:s3] =	stream.indirect.scatter.add.f32 [tilespmem:s26], [sflag:$0x3], $0x80, s30, s23, $0xb8;
	[tilespmem:$0x1F000] =	vst v63  }
0x4f: {  	_ =	swait.ge [sflag:s29], $0x2000  }
0x50: {  	[sflag:s29] =	ssyncset.done $0x0  }
0x51: {  	s2 =	simm.s32 $0x280;
	s1 =	simm.s32 $0x0;
	[sflag:s29] =	ssyncadd.s32 $0xFFFFE000  }
0x52: {  	[tilespmem:s21], [sflag:$0x2] =	stream.linear.gather [hbm4b:s14+s4], $0x2000, $0x38;
	[tilespmem:$0x1F000] =	vst v63  }
.LBB2_2:
0x53: {  	_ =	swait.ge [sflag:s22], $0x2000  }
0x54: {  	[sflag:s22] =	ssyncset.done $0x0  }
0x55: {  	s28 =	sadd.s32 $0xFFFFFF00, s2;
	[sflag:s22] =	ssyncadd.s32 $0xFFFFE000  }
0x56: {  	[spmem:s3] =	stream.indirect.scatter.add.f32 [tilespmem:s20], [sflag:$0x3], $0x80, s28, s23, $0xb8;
	[tilespmem:$0x1F000] =	vst v63  }
0x57: {  	_ =	swait.ge [sflag:s29], $0x2000  }
0x58: {  	[sflag:s29] =	ssyncset.done $0x0  }
0x59: {  	s28 =	sadd.s32 s1, s17;
	[sflag:s29] =	ssyncadd.s32 $0xFFFFE000  }
0x5a: {  	[tilespmem:s26], [sflag:$0x2] =	stream.linear.gather [hbm4b:s28+s4], $0x2000, $0x38;
	[tilespmem:$0x1F000] =	vst v63  }
0x5b: {  	_ =	swait.ge [sflag:s22], $0x2000  }
0x5c: {  	p1 =	seq.s32 s1, $0x27000;
	[sflag:s22] =	ssyncset.done $0x0  }
.Ltmp2:
0x5d: {  	s28 =	sadd.s32 $0xFFFFFF80, s2;
	[sflag:s22] =	ssyncadd.s32 $0xFFFFE000;
	(pc) =	sbr.rel @p1 .LBB2_4-.Ltmp2, $4  }
0x5e: {  	[spmem:s3] =	stream.indirect.scatter.add.f32 [tilespmem:s21], [sflag:$0x3], $0x80, s28, s23, $0xb8;
	[tilespmem:$0x1F000] =	vst v63  }
0x5f: {  	_ =	swait.ge [sflag:s29], $0x2000  }
0x60: {  	[sflag:s29] =	ssyncset.done $0x0  }
0x61: {  	[sflag:s29] =	ssyncadd.s32 $0xFFFFE000  }
0x62: {  	s28 =	sadd.s32 s1, s16  }
0x63: {  	[tilespmem:s20], [sflag:$0x2] =	stream.linear.gather [hbm4b:s28+s4], $0x2000, $0x38;
	[tilespmem:$0x1F000] =	vst v63  }
0x64: {  	_ =	swait.ge [sflag:s22], $0x2000  }
0x65: {  	[sflag:s22] =	ssyncset.done $0x0  }
0x66: {  	[sflag:s22] =	ssyncadd.s32 $0xFFFFE000  }
0x67: {  	[spmem:s3] =	stream.indirect.scatter.add.f32 [tilespmem:s26], [sflag:$0x3], $0x80, s2, s23, $0xb8;
	[tilespmem:$0x1F000] =	vst v63  }
.Ltmp3:
0x68: {  	_ = 	snop;
	(pc) =	sbr.rel .LBB2_2-.Ltmp3, $4  }
0x69: {  	_ =	swait.ge [sflag:s29], $0x2000  }
0x6a: {  	s28 =	sadd.s32 s1, s15;
	[sflag:s29] =	ssyncset.done $0x0  }
0x6b: {  	s1 =	sadd.s32 $0xC00, s1;
	s2 =	sadd.s32 $0x180, s2;
	[sflag:s29] =	ssyncadd.s32 $0xFFFFE000  }
0x6c: {  	[tilespmem:s21], [sflag:$0x2] =	stream.linear.gather [hbm4b:s28+s4], $0x2000, $0x38;
	[tilespmem:$0x1F000] =	vst v63  }
.LBB2_5:
0x6d: {  	_ =	sfence.sel $0x180000  }
0x6e: {  	[bflag:$0x0] =	sbarrier.arrive $0xFFFF  }
0x6f: {  	_ =	strace $0x9000004A  }
0x70: {  	s0 =	stileid.u32;
	[bflag:$0x2] =	sbarrier.arrive $0xFFFF  }
0x71: {  	p0 =	sne.s32 s0, $0x0;
	s0 =	rddreg [dreg:$0x3]  }
0x72: {  	s0 =	sadd.s32 @!p0 $0x100000, s0  }
0x73: {  	[sflag:s0] =	ssyncadd.tile.s32 @!p0 $0x1;
	_ =	shalt  }
.Lfunc_end2:
_tile_overlayer_lowered:
.L_overlay_start_2:
0x74: {  	(tag) =	ssettag $0x2  }
0x75: {  	s0 =	rddreg [dreg:$0x0];
	s2 =	stileid.u32  }
0x76: {  	s1 =	rddreg [dreg:$0x1];
	p0 =	sne.s32 s2, $0x0  }
0x77: {  	s3 =	rddreg [dreg:$0x2];
	[bflag:$0x3] =	sbarrier.arrive $0xFFFF;
	s2 =	simm.s32 @!p0 $0x1C04  }
0x78: {  	[timem:s3], [sflag:s2] =	dma.local @!p0 [hbm:s0], s1  }
0x79: {  	s0 =	simm.s32 @!p0 $0x4  }
0x7a: {  	_ =	swait.ge @!p0 [sflag:s0], s1  }
0x7b: {  	s1 =	ssub.s32 @!p0 $0x0, s1;
	[sflag:s0] =	ssyncset.done @!p0 $0x0  }
0x7c: {  	[sflag:s0] =	ssyncadd.s32 @!p0 s1  }
0x7d: {  	[bflag:$0x3] =	sbarrier.arrive $0xFFFF  }
0x7e: {  	_ =	shalt  }

</sc_bundles>
